<compile_context>
chip_gen: v7x
topology: tpu7x:2x2x1
jax: 0.10.2.dev20260603
libtpu: 0.0.44.dev20260713+nightly
codegen_flags: <defaults>
</compile_context>

<pallas_src>
import functools

import jax
import jax.numpy as jnp
from jax import lax
from jax.experimental import pallas as pl
from jax.experimental.pallas import tpu as pltpu, tpu_sc as plsc

B, N, S, NS, DP = 4, 8192, 1024, 64, 128
NW = 32


def _sc_gather(table, idx_flat, chunk=128):
    V, D = table.shape
    M = idx_flat.shape[0]
    per_w = M // NW
    n_ch = per_w // chunk
    mesh = plsc.VectorSubcoreMesh(core_axis_name="c", subcore_axis_name="s",
                                  num_cores=2, num_subcores=16)

    @functools.partial(
        pl.kernel, mesh=mesh,
        out_type=jax.ShapeDtypeStruct((M, D), jnp.float32),
        compiler_params=pltpu.CompilerParams(use_tc_tiling_on_sc=False),
        scratch_types=[
            pltpu.VMEM((per_w,), jnp.int32),
            pltpu.VMEM((chunk, D), jnp.float32),
            pltpu.SemaphoreType.DMA,
        ],
    )
    def k(table_hbm, idx_hbm, out_hbm, idx_v, rows_v, sem):
        wid = lax.axis_index("s") * 2 + lax.axis_index("c")
        base = wid * per_w
        pltpu.sync_copy(idx_hbm.at[pl.ds(base, per_w)], idx_v)

        def body(j, carry):
            pltpu.async_copy(
                table_hbm.at[idx_v.at[pl.ds(j * chunk, chunk)]],
                rows_v, sem).wait()
            pltpu.sync_copy(rows_v, out_hbm.at[pl.ds(base + j * chunk, chunk)])
            return carry

        lax.fori_loop(0, n_ch, body, 0)

    return k(table, idx_flat)


def _safe_unit(v):
    l = jnp.linalg.norm(v, axis=-1, keepdims=True)
    d = jnp.where(l > 0, l, 1.0)
    u = jnp.where(l > 0, v / d, 0.0)
    return u, l


def _index_points(points, idx):
    b = points.shape[0]
    flat = idx.reshape(b, -1)
    out = jnp.take_along_axis(points, flat[:, :, None], axis=1)
    return out.reshape(idx.shape + (points.shape[-1],))


def _fps(xyz, npoint):
    b, n, _ = xyz.shape
    def body(i, state):
        idxs, dists, far = state
        idxs = idxs.at[:, i].set(far)
        centroid = jnp.take_along_axis(xyz, far[:, None, None], axis=1)
        d = jnp.sum((xyz - centroid) ** 2, -1)
        dists = jnp.minimum(dists, d)
        far = jnp.argmax(dists, -1).astype(jnp.int32)
        return idxs, dists, far
    idxs = jnp.zeros((b, npoint), dtype=jnp.int32)
    dists = jnp.full((b, n), 1e10, dtype=xyz.dtype)
    far = jnp.zeros((b,), dtype=jnp.int32)
    idxs, _, _ = jax.lax.fori_loop(0, npoint, body, (idxs, dists, far))
    return idxs


def _fps_kernel(xt_ref, nt_ref, nxyz_ref, nnorm_ref):
    x = xt_ref[:, 0]
    y = xt_ref[:, 1]
    z = xt_ref[:, 2]
    nx = nt_ref[:, 0]
    ny = nt_ref[:, 1]
    nz = nt_ref[:, 2]
    r_iota = jax.lax.broadcasted_iota(jnp.int32, (B, 64, 128), 1)
    c_iota = jax.lax.broadcasted_iota(jnp.int32, (B, 64, 128), 2)
    flatidx = r_iota * 128 + c_iota
    BIG = jnp.int32(2 ** 30)

    def body(i, state):
        dists, far = state
        mask = flatidx == far
        maskf = mask.astype(jnp.float32)
        cx = jnp.sum(x * maskf, axis=(1, 2), keepdims=True)
        cy = jnp.sum(y * maskf, axis=(1, 2), keepdims=True)
        cz = jnp.sum(z * maskf, axis=(1, 2), keepdims=True)
        cnx = jnp.sum(nx * maskf, axis=(1, 2), keepdims=True)
        cny = jnp.sum(ny * maskf, axis=(1, 2), keepdims=True)
        cnz = jnp.sum(nz * maskf, axis=(1, 2), keepdims=True)
        nxyz_ref[:, pl.ds(i, 1), :] = jnp.concatenate(
            [cx[:, 0], cy[:, 0], cz[:, 0]], axis=-1)[:, None, :]
        nnorm_ref[:, pl.ds(i, 1), :] = jnp.concatenate(
            [cnx[:, 0], cny[:, 0], cnz[:, 0]], axis=-1)[:, None, :]
        d = (x - cx) ** 2 + (y - cy) ** 2 + (z - cz) ** 2
        dists = jnp.minimum(dists, d)
        m = jnp.max(dists, axis=(1, 2), keepdims=True)
        far = jnp.min(jnp.where(dists == m, flatidx, BIG),
                      axis=(1, 2), keepdims=True)
        return dists, far

    dists0 = jnp.full((B, 64, 128), 1e10, dtype=jnp.float32)
    far0 = jnp.zeros((B, 1, 1), dtype=jnp.int32)
    jax.lax.fori_loop(0, S, body, (dists0, far0))


def _fps_pallas(xyz, norm):
    xt = xyz.transpose(0, 2, 1).reshape(B, 3, 64, 128)
    nt = norm.transpose(0, 2, 1).reshape(B, 3, 64, 128)
    return pl.pallas_call(
        _fps_kernel,
        out_shape=(jax.ShapeDtypeStruct((B, S, 3), jnp.float32),
                   jax.ShapeDtypeStruct((B, S, 3), jnp.float32)),
    )(xt, nt)


QB = 32


def _ce(key, pay, j, up):
    i = jax.lax.broadcasted_iota(jnp.int32, (1, key.shape[1], 1), 1)
    mask_hi = (i & j) != 0
    pkey = jnp.where(mask_hi, jnp.roll(key, j, axis=1),
                     jnp.roll(key, -j, axis=1))
    ppay = jnp.where(mask_hi, jnp.roll(pay, j, axis=1),
                     jnp.roll(pay, -j, axis=1))
    keep_min = jnp.logical_xor(mask_hi, up)
    take = (keep_min & (pkey < key)) | (~keep_min & (pkey > key))
    return jnp.where(take, pkey, key), jnp.where(take, ppay, pay)


def _knn_kernel(q_ref, pk_ref, idx_ref):
    q = q_ref[0]
    pk = pk_ref[0]
    mm = jnp.dot(q.astype(jnp.bfloat16), pk.astype(jnp.bfloat16),
                 preferred_element_type=jnp.float32)
    q2 = q[:, 0:1] ** 2 + q[:, 1:2] ** 2 + q[:, 2:3] ** 2
    p2 = pk[0:1] ** 2 + pk[1:2] ** 2 + pk[2:3] ** 2
    sq = (-2.0 * mm) + q2 + p2
    key = sq.reshape(QB, 64, 128)
    pay = (jax.lax.broadcasted_iota(jnp.int32, (QB, 64, 128), 1) * 128
           + jax.lax.broadcasted_iota(jnp.int32, (QB, 64, 128), 2))
    i = jax.lax.broadcasted_iota(jnp.int32, (1, 64, 1), 1)
    for k in (2, 4, 8, 16, 32, 64):
        up = (i & k) == 0
        j = k >> 1
        while j >= 1:
            key, pay = _ce(key, pay, j, up)
            j >>= 1
    def rev64(x):
        for j in (32, 16, 8, 4, 2, 1):
            x = jnp.where((i & j) != 0, jnp.roll(x, j, axis=1),
                          jnp.roll(x, -j, axis=1))
        return x

    for _ in range(7):
        w = key.shape[2] // 2
        ka, kb = key[:, :, :w], rev64(key[:, :, w:])
        pa, pb = pay[:, :, :w], rev64(pay[:, :, w:])
        cond = kb < ka
        key = jnp.where(cond, kb, ka)
        pay = jnp.where(cond, pb, pa)
        for j in (32, 16, 8, 4, 2, 1):
            key, pay = _ce(key, pay, j, True)
    idx_ref[0] = pay[:, :, 0]


def _knn_pallas(new_xyz, xyz):
    qpad = jnp.concatenate(
        [new_xyz, jnp.zeros((B, S, 5), jnp.float32)], axis=-1)
    ppad = jnp.concatenate(
        [xyz.transpose(0, 2, 1), jnp.zeros((B, 5, N), jnp.float32)], axis=1)
    return pl.pallas_call(
        _knn_kernel,
        grid=(B, S // QB),
        in_specs=[pl.BlockSpec((1, QB, 8), lambda b, s: (b, s, 0)),
                  pl.BlockSpec((1, 8, N), lambda b, s: (b, 0, 0))],
        out_specs=pl.BlockSpec((1, QB, NS), lambda b, s: (b, s, 0)),
        out_shape=jax.ShapeDtypeStruct((B, S, NS), jnp.int32),
    )(qpad, ppad)


def _bn_relu(x, g, b):
    m = jnp.mean(x, axis=(0, 1, 2), keepdims=True)
    v = jnp.var(x, axis=(0, 1, 2), keepdims=True)
    return jax.nn.relu((x - m) / jnp.sqrt(v + 1e-5) * g + b)


def _maxpool_kernel(h_ref, o_ref):
    o_ref[...] = jnp.max(h_ref[...], axis=1)


def _maxpool(h):
    R, K, C = h.shape
    BLK = 128
    return pl.pallas_call(
        _maxpool_kernel,
        grid=(R // BLK,),
        in_specs=[pl.BlockSpec((BLK, K, C), lambda i: (i, 0, 0))],
        out_specs=pl.BlockSpec((BLK, C), lambda i: (i, 0)),
        out_shape=jax.ShapeDtypeStruct((R, C), h.dtype),
    )(h)


def kernel(xyz, norm, points, pW0, pb0, pg0, pbt0, pW1, pb1, pg1, pbt1,
           mW0, mb0, mg0, mbt0, mW1, mb1, mg1, mbt1):
    eps = 1e-7
    b = xyz.shape[0]
    new_xyz, new_norm = _fps_pallas(xyz, norm)
    sq = -2.0 * jnp.matmul(new_xyz, xyz.transpose(0, 2, 1))
    sq = sq + jnp.sum(new_xyz ** 2, -1)[:, :, None] + jnp.sum(xyz ** 2, -1)[:, None, :]
    _, idx = jax.lax.top_k(-sq, NS)
    nn3 = new_norm[..., None]
    batch_off = (jax.lax.iota(jnp.int32, B) * N)[:, None, None]
    xyzn_table = jnp.concatenate(
        [xyz, norm, jnp.zeros((B, N, 10), jnp.float32)], axis=-1
    ).reshape(B * N, 16)
    grouped_xyzn = _sc_gather(
        xyzn_table, (idx + batch_off).reshape(-1)).reshape(B, S, NS, 16)
    grouped_xyz = grouped_xyzn[..., 0:3]
    local = grouped_xyz - new_xyz[:, :, None, :]
    dist_plane = jnp.matmul(local, nn3)
    proj = local - dist_plane * new_norm[:, :, None, :]
    unit, plen = _safe_unit(proj)
    li = jnp.argmax(plen[..., 0], axis=2)
    vref = jnp.take_along_axis(unit, jnp.broadcast_to(li[:, :, None, None], (b, S, 1, 3)), axis=2)
    dots = jnp.matmul(unit, vref.reshape(b, S, 3, 1))
    sgn = jnp.cross(unit, jnp.broadcast_to(vref, unit.shape))
    sgn = jnp.sign(jnp.matmul(sgn, nn3))
    sgn = sgn.at[:, :, 0, 0].set(1.0)
    dots = sgn * dots - (1.0 - sgn)
    order = jnp.argsort(-dots[..., 0], axis=2)
    dots_sorted = jnp.take_along_axis(dots, order[..., None], axis=2)
    idx_ordered = jnp.take_along_axis(idx, order, axis=2)
    idxo_flat = (idx_ordered + batch_off).reshape(-1)
    g_xyzn = _sc_gather(xyzn_table, idxo_flat).reshape(B, S, NS, 16)
    g_xyz = g_xyzn[..., 0:3]
    g_local = g_xyz - new_xyz[:, :, None, :]
    g_unit, g_len = _safe_unit(g_local)
    g_norm = g_xyzn[..., 3:6]
    a0 = jnp.matmul(g_unit, nn3)
    a1 = jnp.sum(g_unit * g_norm, -1, keepdims=True)
    an = jnp.arccos(jnp.clip(jnp.matmul(g_norm, nn3), -1 + eps, 1 - eps))
    an = jnp.where(a0 < a1, 1.0, -1.0) * an
    inner = g_local - jnp.roll(g_local, 1, axis=2)
    iunit, _ = _safe_unit(inner)
    ia0 = jnp.sum(iunit * g_norm, -1, keepdims=True)
    ia1 = jnp.sum(iunit * jnp.roll(g_norm, 1, axis=2), -1, keepdims=True)
    ia2 = jnp.arccos(jnp.clip(jnp.sum(g_norm * jnp.roll(g_norm, 1, axis=2), -1, keepdims=True), -1 + eps, 1 - eps))
    ia2 = jnp.where(ia0 < ia1, 1.0, -1.0) * ia2
    pfeat = dots_sorted - jnp.roll(dots_sorted, 1, axis=2)
    pfeat = pfeat.at[:, :, 0, 0].set(-3.0 - dots_sorted[:, :, -1, 0])
    ri = jnp.concatenate([g_len, pfeat, a0, a1, an, ia0, ia1, ia2], axis=-1)
    h = _bn_relu(jnp.matmul(ri, pW0.T) + pb0, pg0, pbt0)
    h = _bn_relu(jnp.matmul(h, pW1.T) + pb1, pg1, pbt1)
    gp = _sc_gather(points.reshape(B * N, DP), idxo_flat).reshape(B, S, NS, DP)
    h = jnp.concatenate([h, gp], axis=-1)
    h = _bn_relu(jnp.matmul(h, mW0.T) + mb0, mg0, mbt0)
    h = _bn_relu(jnp.matmul(h, mW1.T) + mb1, mg1, mbt1)
    out = _maxpool(h.reshape(B * S, NS, 256)).reshape(B, S, 256)
    return new_xyz, new_norm, out.transpose(0, 2, 1)

# --- scband reference (transcript-rebuilt; emitter-appended) ---
"""Pipeline reference for scband-riconv2-set-abstraction-5282809774328 (READ-ONLY COPY).

The authoritative reference and input builder live on the scoring server;
editing this copy changes nothing except your own understanding.
"""

import jax, jax.numpy as jnp
import numpy as np

B, N, S, NS, DP = 4, 8192, 1024, 64, 128

def safe_unit(v):
    l = jnp.linalg.norm(v, axis=-1, keepdims=True)
    d = jnp.where(l > 0, l, 1.0)
    u = jnp.where(l > 0, v / d, 0.0)
    return u, l

def index_points(points, idx):
    b = points.shape[0]
    flat = idx.reshape(b, -1)
    out = jnp.take_along_axis(points, flat[:, :, None], axis=1)
    return out.reshape(idx.shape + (points.shape[-1],))

def fps(xyz, npoint):
    b, n, _ = xyz.shape
    def body(i, state):
        idxs, dists, far = state
        idxs = idxs.at[:, i].set(far)
        centroid = jnp.take_along_axis(xyz, far[:, None, None], axis=1)
        d = jnp.sum((xyz - centroid) ** 2, -1)
        dists = jnp.minimum(dists, d)
        far = jnp.argmax(dists, -1).astype(jnp.int32)
        return idxs, dists, far
    idxs = jnp.zeros((b, npoint), dtype=jnp.int32)
    dists = jnp.full((b, n), 1e10, dtype=xyz.dtype)
    far = jnp.zeros((b,), dtype=jnp.int32)
    idxs, _, _ = jax.lax.fori_loop(0, npoint, body, (idxs, dists, far))
    return idxs

def bn_relu(x, g, b):
    m = jnp.mean(x, axis=(0, 1, 2), keepdims=True)
    v = jnp.var(x, axis=(0, 1, 2), keepdims=True)
    return jax.nn.relu((x - m) / jnp.sqrt(v + 1e-5) * g + b)

def ri_forward(xyz, norm, points, fps_idx, params):
    eps = 1e-7
    pW0, pb0, pg0, pbt0, pW1, pb1, pg1, pbt1, mW0, mb0, mg0, mbt0, mW1, mb1, mg1, mbt1 = params
    b = xyz.shape[0]
    new_xyz = index_points(xyz, fps_idx)
    new_norm = index_points(norm, fps_idx)
    sq = -2.0 * jnp.matmul(new_xyz, xyz.transpose(0, 2, 1))
    sq = sq + jnp.sum(new_xyz ** 2, -1)[:, :, None] + jnp.sum(xyz ** 2, -1)[:, None, :]
    _, idx = jax.lax.top_k(-sq, NS)
    nn3 = new_norm[..., None]
    grouped_xyz = index_points(xyz, idx)
    local = grouped_xyz - new_xyz[:, :, None, :]
    dist_plane = jnp.matmul(local, nn3)
    proj = local - dist_plane * new_norm[:, :, None, :]
    unit, plen = safe_unit(proj)
    li = jnp.argmax(plen[..., 0], axis=2)
    vref = jnp.take_along_axis(unit, jnp.broadcast_to(li[:, :, None, None], (b, S, 1, 3)), axis=2)
    dots = jnp.matmul(unit, vref.reshape(b, S, 3, 1))
    sgn = jnp.cross(unit, jnp.broadcast_to(vref, unit.shape))
    sgn = jnp.sign(jnp.matmul(sgn, nn3))
    sgn = sgn.at[:, :, 0, 0].set(1.0)
    dots = sgn * dots - (1.0 - sgn)
    order = jnp.argsort(-dots[..., 0], axis=2)
    dots_sorted = jnp.take_along_axis(dots, order[..., None], axis=2)
    idx_ordered = jnp.take_along_axis(idx, order, axis=2)
    g_xyz = index_points(xyz, idx_ordered)
    g_local = g_xyz - new_xyz[:, :, None, :]
    g_unit, g_len = safe_unit(g_local)
    g_norm = index_points(norm, idx_ordered)
    a0 = jnp.matmul(g_unit, nn3)
    a1 = jnp.sum(g_unit * g_norm, -1, keepdims=True)
    an = jnp.arccos(jnp.clip(jnp.matmul(g_norm, nn3), -1 + eps, 1 - eps))
    an = jnp.where(a0 < a1, 1.0, -1.0) * an
    inner = g_local - jnp.roll(g_local, 1, axis=2)
    iunit, _ = safe_unit(inner)
    ia0 = jnp.sum(iunit * g_norm, -1, keepdims=True)
    ia1 = jnp.sum(iunit * jnp.roll(g_norm, 1, axis=2), -1, keepdims=True)
    ia2 = jnp.arccos(jnp.clip(jnp.sum(g_norm * jnp.roll(g_norm, 1, axis=2), -1, keepdims=True), -1 + eps, 1 - eps))
    ia2 = jnp.where(ia0 < ia1, 1.0, -1.0) * ia2
    pfeat = dots_sorted - jnp.roll(dots_sorted, 1, axis=2)
    pfeat = pfeat.at[:, :, 0, 0].set(-3.0 - dots_sorted[:, :, -1, 0])
    ri = jnp.concatenate([g_len, pfeat, a0, a1, an, ia0, ia1, ia2], axis=-1)
    h = bn_relu(jnp.matmul(ri, pW0.T) + pb0, pg0, pbt0)
    h = bn_relu(jnp.matmul(h, pW1.T) + pb1, pg1, pbt1)
    gp = index_points(points, idx_ordered)
    h = jnp.concatenate([h, gp], axis=-1)
    h = bn_relu(jnp.matmul(h, mW0.T) + mb0, mg0, mbt0)
    h = bn_relu(jnp.matmul(h, mW1.T) + mb1, mg1, mbt1)
    out = jnp.max(h, axis=2)
    return new_xyz, new_norm, out.transpose(0, 2, 1)

def setup_inputs(seed: int = 0):
    key = jax.random.key(seed)
    ks = jax.random.split(key, 8)
    inp = {}
    inp["xyz"] = jax.random.normal(ks[0], (B, N, 3), dtype=jnp.float32)
    inp["norm"] = jax.random.normal(ks[1], (B, N, 3), dtype=jnp.float32)
    inp["points"] = jax.random.normal(ks[2], (B, N, DP), dtype=jnp.float32)
    inp["pW0"] = jax.random.normal(ks[3], (32, 8), dtype=jnp.float32) * float(1.0 / np.sqrt(8))
    inp["pb0"] = jnp.zeros((32,), dtype=jnp.float32)
    inp["pg0"] = jnp.ones((32,), dtype=jnp.float32)
    inp["pbt0"] = jnp.zeros((32,), dtype=jnp.float32)
    inp["pW1"] = jax.random.normal(ks[4], (64, 32), dtype=jnp.float32) * float(1.0 / np.sqrt(32))
    inp["pb1"] = jnp.zeros((64,), dtype=jnp.float32)
    inp["pg1"] = jnp.ones((64,), dtype=jnp.float32)
    inp["pbt1"] = jnp.zeros((64,), dtype=jnp.float32)
    inp["mW0"] = jax.random.normal(ks[5], (128, 64 + DP), dtype=jnp.float32) * float(1.0 / np.sqrt(64 + DP))
    inp["mb0"] = jnp.zeros((128,), dtype=jnp.float32)
    inp["mg0"] = jnp.ones((128,), dtype=jnp.float32)
    inp["mbt0"] = jnp.zeros((128,), dtype=jnp.float32)
    inp["mW1"] = jax.random.normal(ks[6], (256, 128), dtype=jnp.float32) * float(1.0 / np.sqrt(128))
    inp["mb1"] = jnp.zeros((256,), dtype=jnp.float32)
    inp["mg1"] = jnp.ones((256,), dtype=jnp.float32)
    inp["mbt1"] = jnp.zeros((256,), dtype=jnp.float32)
    return inp

def reference(xyz, norm, points, pW0, pb0, pg0, pbt0, pW1, pb1, pg1, pbt1, mW0, mb0, mg0, mbt0, mW1, mb1, mg1, mbt1):
    fps_idx = fps(xyz, S)
    params = (pW0, pb0, pg0, pbt0, pW1, pb1, pg1, pbt1, mW0, mb0, mg0, mbt0, mW1, mb1, mg1, mbt1)
    return ri_forward(xyz, norm, points, fps_idx, params)

if __name__ == "__main__":
    import jax
    _d = setup_inputs()
    print(jax.jit(kernel)(*tuple(_d.values())))

</pallas_src>

<mosaic_0001>
#map = affine_map<(d0, d1) -> (0, 0)>
#map1 = affine_map<(d0, d1) -> (0)>
module attributes {stable_mosaic.version = 14 : i64} {
  func.func @k(%arg0: i32, %arg1: i32, %arg2: memref<32768x16xf32, #tpu.memory_space<hbm>>, %arg3: memref<262144xi32, #tpu.memory_space<hbm>>, %arg4: memref<262144x16xf32, #tpu.memory_space<hbm>>, %arg5: memref<8192xi32, #tpu.memory_space<vmem>>, %arg6: memref<128x16xf32, #tpu.memory_space<vmem>>, %arg7: memref<!tpu.dma_semaphore, #tpu.memory_space<semaphore_mem>>) attributes {dimension_semantics = [#tpu.dimension_semantics<core_parallel>, #tpu.dimension_semantics<subcore_parallel>], iteration_bounds = array<i64: 2, 16>, scalar_prefetch = 0 : i64, scratch_operands = 3 : i64, tpu.core_type = #tpu.core_type<sc_vector_subcore>, window_params = [{transform_indices = #map}, {transform_indices = #map1}, {transform_indices = #map}]} {
    %mul3A = arith.constant 2 : i32
    %mul3A_0 = arith.muli %arg1, %mul3A : i32
    %add3A = arith.addi %mul3A_0, %arg0 : i32
    %mul3A_1 = arith.constant 8192 : i32
    %mul3A_2 = arith.muli %add3A, %mul3A_1 : i32
    "tpu.region"() ({
      %run_scoped3A = tpu.sem_alloc : memref<!tpu.dma_semaphore, #tpu.memory_space<semaphore_mem>>
      %dma_start3A = tpu.memref_slice %arg3[%mul3A_2] : memref<262144xi32, #tpu.memory_space<hbm>> -> memref<8192xi32, #tpu.memory_space<hbm>>
      %dma_start3A_8 = tpu.memref_slice %arg3[%mul3A_2] : memref<262144xi32, #tpu.memory_space<hbm>> -> memref<8192xi32, #tpu.memory_space<hbm>>
      tpu.enqueue_dma source(%dma_start3A_8 : memref<8192xi32, #tpu.memory_space<hbm>>) target(%arg5 : memref<8192xi32, #tpu.memory_space<vmem>>) target_semaphore(%run_scoped3A : memref<!tpu.dma_semaphore, #tpu.memory_space<semaphore_mem>>)
      %dma_wait3A = tpu.memref_slice %arg3[%mul3A_2] : memref<262144xi32, #tpu.memory_space<hbm>> -> memref<8192xi32, #tpu.memory_space<hbm>>
      %dma_wait3A_9 = tpu.memref_slice %arg3[%mul3A_2] : memref<262144xi32, #tpu.memory_space<hbm>> -> memref<8192xi32, #tpu.memory_space<hbm>>
      tpu.wait_dma2 semaphore(%run_scoped3A : memref<!tpu.dma_semaphore, #tpu.memory_space<semaphore_mem>>) src(%dma_wait3A_9 : memref<8192xi32, #tpu.memory_space<hbm>>) dst(%arg5 : memref<8192xi32, #tpu.memory_space<vmem>>)
      tpu.yield
    }) : () -> ()
    %scan3A = arith.constant 0 : i32
    %scan3A_3 = arith.constant 0 : i32
    %scan3A_4 = arith.constant 64 : i32
    %scan3A_5 = arith.addi %scan3A_3, %scan3A_4 : i32
    %scan3A_6 = arith.constant 1 : i32
    scf.for %scan3A_8 = %scan3A_3 to %scan3A_5 step %scan3A_6  : i32 {
      %mul3A_9 = arith.constant 128 : i32
      %mul3A_10 = arith.muli %scan3A_8, %mul3A_9 : i32
      %dma_start3A = tpu.memref_slice %arg5[%mul3A_10] : memref<8192xi32, #tpu.memory_space<vmem>> -> memref<128xi32, #tpu.memory_space<vmem>>
      %dma_start3A_11 = arith.constant 0 : i32
      %dma_start3A_12 = arith.constant 0 : i32
      %dma_start3A_13 = tpu.memref_slice %arg2[%dma_start3A_11, %dma_start3A_12] : memref<32768x16xf32, #tpu.memory_space<hbm>> -> memref<32768x16xf32, #tpu.memory_space<hbm>>
      tpu.enqueue_indirect_dma source(%dma_start3A_13 : memref<32768x16xf32, #tpu.memory_space<hbm>>) target(%arg6 : memref<128x16xf32, #tpu.memory_space<vmem>>) offsets(%dma_start3A : memref<128xi32, #tpu.memory_space<vmem>>) semaphore(%arg7 : memref<!tpu.dma_semaphore, #tpu.memory_space<semaphore_mem>>)
      %dma_wait3A = tpu.memref_slice %arg5[%mul3A_10] : memref<8192xi32, #tpu.memory_space<vmem>> -> memref<128xi32, #tpu.memory_space<vmem>>
      %dma_wait3A_14 = arith.constant 0 : i32
      %dma_wait3A_15 = arith.constant 0 : i32
      %dma_wait3A_16 = tpu.memref_slice %arg2[%dma_wait3A_14, %dma_wait3A_15] : memref<32768x16xf32, #tpu.memory_space<hbm>> -> memref<32768x16xf32, #tpu.memory_space<hbm>>
      tpu.wait_indirect_dma semaphore(%arg7 : memref<!tpu.dma_semaphore, #tpu.memory_space<semaphore_mem>>) src(%dma_wait3A_16 : memref<32768x16xf32, #tpu.memory_space<hbm>>) dst(%arg6 : memref<128x16xf32, #tpu.memory_space<vmem>>)
      %mul3A_17 = arith.constant 128 : i32
      %mul3A_18 = arith.muli %scan3A_8, %mul3A_17 : i32
      %add3A_19 = arith.addi %mul3A_2, %mul3A_18 : i32
      "tpu.region"() ({
        %run_scoped3A = tpu.sem_alloc : memref<!tpu.dma_semaphore, #tpu.memory_space<semaphore_mem>>
        %dma_start3A_20 = arith.constant 0 : i32
        %dma_start3A_21 = tpu.memref_slice %arg4[%add3A_19, %dma_start3A_20] : memref<262144x16xf32, #tpu.memory_space<hbm>> -> memref<128x16xf32, #tpu.memory_space<hbm>>
        %dma_start3A_22 = arith.constant 0 : i32
        %dma_start3A_23 = tpu.memref_slice %arg4[%add3A_19, %dma_start3A_22] : memref<262144x16xf32, #tpu.memory_space<hbm>> -> memref<128x16xf32, #tpu.memory_space<hbm>>
        tpu.enqueue_dma source(%arg6 : memref<128x16xf32, #tpu.memory_space<vmem>>) target(%dma_start3A_23 : memref<128x16xf32, #tpu.memory_space<hbm>>) target_semaphore(%run_scoped3A : memref<!tpu.dma_semaphore, #tpu.memory_space<semaphore_mem>>)
        %dma_wait3A_24 = arith.constant 0 : i32
        %dma_wait3A_25 = tpu.memref_slice %arg4[%add3A_19, %dma_wait3A_24] : memref<262144x16xf32, #tpu.memory_space<hbm>> -> memref<128x16xf32, #tpu.memory_space<hbm>>
        %dma_wait3A_26 = arith.constant 0 : i32
        %dma_wait3A_27 = tpu.memref_slice %arg4[%add3A_19, %dma_wait3A_26] : memref<262144x16xf32, #tpu.memory_space<hbm>> -> memref<128x16xf32, #tpu.memory_space<hbm>>
        tpu.wait_dma2 semaphore(%run_scoped3A : memref<!tpu.dma_semaphore, #tpu.memory_space<semaphore_mem>>) src(%arg6 : memref<128x16xf32, #tpu.memory_space<vmem>>) dst(%dma_wait3A_27 : memref<128x16xf32, #tpu.memory_space<hbm>>)
        tpu.yield
      }) : () -> ()
    }
    %scan3A_7 = arith.constant 64 : i32
    return
  }
}

#map = affine_map<(d0, d1) -> (0, 0)>
#map1 = affine_map<(d0, d1) -> (0)>
module attributes {stable_mosaic.version = 14 : i64} {
  func.func @k(%arg0: i32, %arg1: i32, %arg2: memref<32768x16xf32, #tpu.memory_space<hbm>>, %arg3: memref<262144xi32, #tpu.memory_space<hbm>>, %arg4: memref<262144x16xf32, #tpu.memory_space<hbm>>, %arg5: memref<8192xi32, #tpu.memory_space<vmem>>, %arg6: memref<128x16xf32, #tpu.memory_space<vmem>>, %arg7: memref<!tpu.dma_semaphore, #tpu.memory_space<semaphore_mem>>) attributes {dimension_semantics = [#tpu.dimension_semantics<core_parallel>, #tpu.dimension_semantics<subcore_parallel>], iteration_bounds = array<i64: 2, 16>, scalar_prefetch = 0 : i64, scratch_operands = 3 : i64, tpu.core_type = #tpu.core_type<sc_vector_subcore>, window_params = [{transform_indices = #map}, {transform_indices = #map1}, {transform_indices = #map}]} {
    %mul3A = arith.constant 2 : i32
    %mul3A_0 = arith.muli %arg1, %mul3A : i32
    %add3A = arith.addi %mul3A_0, %arg0 : i32
    %mul3A_1 = arith.constant 8192 : i32
    %mul3A_2 = arith.muli %add3A, %mul3A_1 : i32
    "tpu.region"() ({
      %run_scoped3A = tpu.sem_alloc : memref<!tpu.dma_semaphore, #tpu.memory_space<semaphore_mem>>
      %dma_start3A = tpu.memref_slice %arg3[%mul3A_2] : memref<262144xi32, #tpu.memory_space<hbm>> -> memref<8192xi32, #tpu.memory_space<hbm>>
      %dma_start3A_8 = tpu.memref_slice %arg3[%mul3A_2] : memref<262144xi32, #tpu.memory_space<hbm>> -> memref<8192xi32, #tpu.memory_space<hbm>>
      tpu.enqueue_dma source(%dma_start3A_8 : memref<8192xi32, #tpu.memory_space<hbm>>) target(%arg5 : memref<8192xi32, #tpu.memory_space<vmem>>) target_semaphore(%run_scoped3A : memref<!tpu.dma_semaphore, #tpu.memory_space<semaphore_mem>>)
      %dma_wait3A = tpu.memref_slice %arg3[%mul3A_2] : memref<262144xi32, #tpu.memory_space<hbm>> -> memref<8192xi32, #tpu.memory_space<hbm>>
      %dma_wait3A_9 = tpu.memref_slice %arg3[%mul3A_2] : memref<262144xi32, #tpu.memory_space<hbm>> -> memref<8192xi32, #tpu.memory_space<hbm>>
      tpu.wait_dma2 semaphore(%run_scoped3A : memref<!tpu.dma_semaphore, #tpu.memory_space<semaphore_mem>>) src(%dma_wait3A_9 : memref<8192xi32, #tpu.memory_space<hbm>>) dst(%arg5 : memref<8192xi32, #tpu.memory_space<vmem>>)
      tpu.yield
    }) : () -> ()
    %scan3A = arith.constant 0 : i32
    %scan3A_3 = arith.constant 0 : i32
    %scan3A_4 = arith.constant 64 : i32
    %scan3A_5 = arith.addi %scan3A_3, %scan3A_4 : i32
    %scan3A_6 = arith.constant 1 : i32
    scf.for %scan3A_8 = %scan3A_3 to %scan3A_5 step %scan3A_6  : i32 {
      %mul3A_9 = arith.constant 128 : i32
      %mul3A_10 = arith.muli %scan3A_8, %mul3A_9 : i32
      %dma_start3A = tpu.memref_slice %arg5[%mul3A_10] : memref<8192xi32, #tpu.memory_space<vmem>> -> memref<128xi32, #tpu.memory_space<vmem>>
      %dma_start3A_11 = arith.constant 0 : i32
      %dma_start3A_12 = arith.constant 0 : i32
      %dma_start3A_13 = tpu.memref_slice %arg2[%dma_start3A_11, %dma_start3A_12] : memref<32768x16xf32, #tpu.memory_space<hbm>> -> memref<32768x16xf32, #tpu.memory_space<hbm>>
      tpu.enqueue_indirect_dma source(%dma_start3A_13 : memref<32768x16xf32, #tpu.memory_space<hbm>>) target(%arg6 : memref<128x16xf32, #tpu.memory_space<vmem>>) offsets(%dma_start3A : memref<128xi32, #tpu.memory_space<vmem>>) semaphore(%arg7 : memref<!tpu.dma_semaphore, #tpu.memory_space<semaphore_mem>>)
      %dma_wait3A = tpu.memref_slice %arg5[%mul3A_10] : memref<8192xi32, #tpu.memory_space<vmem>> -> memref<128xi32, #tpu.memory_space<vmem>>
      %dma_wait3A_14 = arith.constant 0 : i32
      %dma_wait3A_15 = arith.constant 0 : i32
      %dma_wait3A_16 = tpu.memref_slice %arg2[%dma_wait3A_14, %dma_wait3A_15] : memref<32768x16xf32, #tpu.memory_space<hbm>> -> memref<32768x16xf32, #tpu.memory_space<hbm>>
      tpu.wait_indirect_dma semaphore(%arg7 : memref<!tpu.dma_semaphore, #tpu.memory_space<semaphore_mem>>) src(%dma_wait3A_16 : memref<32768x16xf32, #tpu.memory_space<hbm>>) dst(%arg6 : memref<128x16xf32, #tpu.memory_space<vmem>>)
      %mul3A_17 = arith.constant 128 : i32
      %mul3A_18 = arith.muli %scan3A_8, %mul3A_17 : i32
      %add3A_19 = arith.addi %mul3A_2, %mul3A_18 : i32
      "tpu.region"() ({
        %run_scoped3A = tpu.sem_alloc : memref<!tpu.dma_semaphore, #tpu.memory_space<semaphore_mem>>
        %dma_start3A_20 = arith.constant 0 : i32
        %dma_start3A_21 = tpu.memref_slice %arg4[%add3A_19, %dma_start3A_20] : memref<262144x16xf32, #tpu.memory_space<hbm>> -> memref<128x16xf32, #tpu.memory_space<hbm>>
        %dma_start3A_22 = arith.constant 0 : i32
        %dma_start3A_23 = tpu.memref_slice %arg4[%add3A_19, %dma_start3A_22] : memref<262144x16xf32, #tpu.memory_space<hbm>> -> memref<128x16xf32, #tpu.memory_space<hbm>>
        tpu.enqueue_dma source(%arg6 : memref<128x16xf32, #tpu.memory_space<vmem>>) target(%dma_start3A_23 : memref<128x16xf32, #tpu.memory_space<hbm>>) target_semaphore(%run_scoped3A : memref<!tpu.dma_semaphore, #tpu.memory_space<semaphore_mem>>)
        %dma_wait3A_24 = arith.constant 0 : i32
        %dma_wait3A_25 = tpu.memref_slice %arg4[%add3A_19, %dma_wait3A_24] : memref<262144x16xf32, #tpu.memory_space<hbm>> -> memref<128x16xf32, #tpu.memory_space<hbm>>
        %dma_wait3A_26 = arith.constant 0 : i32
        %dma_wait3A_27 = tpu.memref_slice %arg4[%add3A_19, %dma_wait3A_26] : memref<262144x16xf32, #tpu.memory_space<hbm>> -> memref<128x16xf32, #tpu.memory_space<hbm>>
        tpu.wait_dma2 semaphore(%run_scoped3A : memref<!tpu.dma_semaphore, #tpu.memory_space<semaphore_mem>>) src(%arg6 : memref<128x16xf32, #tpu.memory_space<vmem>>) dst(%dma_wait3A_27 : memref<128x16xf32, #tpu.memory_space<hbm>>)
        tpu.yield
      }) : () -> ()
    }
    %scan3A_7 = arith.constant 64 : i32
    return
  }
}

#map = affine_map<(d0, d1) -> (0, 0)>
#map1 = affine_map<(d0, d1) -> (0)>
module attributes {stable_mosaic.version = 14 : i64} {
  func.func @k(%arg0: i32, %arg1: i32, %arg2: memref<32768x128xf32, #tpu.memory_space<hbm>>, %arg3: memref<262144xi32, #tpu.memory_space<hbm>>, %arg4: memref<262144x128xf32, #tpu.memory_space<hbm>>, %arg5: memref<8192xi32, #tpu.memory_space<vmem>>, %arg6: memref<128x128xf32, #tpu.memory_space<vmem>>, %arg7: memref<!tpu.dma_semaphore, #tpu.memory_space<semaphore_mem>>) attributes {dimension_semantics = [#tpu.dimension_semantics<core_parallel>, #tpu.dimension_semantics<subcore_parallel>], iteration_bounds = array<i64: 2, 16>, scalar_prefetch = 0 : i64, scratch_operands = 3 : i64, tpu.core_type = #tpu.core_type<sc_vector_subcore>, window_params = [{transform_indices = #map}, {transform_indices = #map1}, {transform_indices = #map}]} {
    %mul3A = arith.constant 2 : i32
    %mul3A_0 = arith.muli %arg1, %mul3A : i32
    %add3A = arith.addi %mul3A_0, %arg0 : i32
    %mul3A_1 = arith.constant 8192 : i32
    %mul3A_2 = arith.muli %add3A, %mul3A_1 : i32
    "tpu.region"() ({
      %run_scoped3A = tpu.sem_alloc : memref<!tpu.dma_semaphore, #tpu.memory_space<semaphore_mem>>
      %dma_start3A = tpu.memref_slice %arg3[%mul3A_2] : memref<262144xi32, #tpu.memory_space<hbm>> -> memref<8192xi32, #tpu.memory_space<hbm>>
      %dma_start3A_8 = tpu.memref_slice %arg3[%mul3A_2] : memref<262144xi32, #tpu.memory_space<hbm>> -> memref<8192xi32, #tpu.memory_space<hbm>>
      tpu.enqueue_dma source(%dma_start3A_8 : memref<8192xi32, #tpu.memory_space<hbm>>) target(%arg5 : memref<8192xi32, #tpu.memory_space<vmem>>) target_semaphore(%run_scoped3A : memref<!tpu.dma_semaphore, #tpu.memory_space<semaphore_mem>>)
      %dma_wait3A = tpu.memref_slice %arg3[%mul3A_2] : memref<262144xi32, #tpu.memory_space<hbm>> -> memref<8192xi32, #tpu.memory_space<hbm>>
      %dma_wait3A_9 = tpu.memref_slice %arg3[%mul3A_2] : memref<262144xi32, #tpu.memory_space<hbm>> -> memref<8192xi32, #tpu.memory_space<hbm>>
      tpu.wait_dma2 semaphore(%run_scoped3A : memref<!tpu.dma_semaphore, #tpu.memory_space<semaphore_mem>>) src(%dma_wait3A_9 : memref<8192xi32, #tpu.memory_space<hbm>>) dst(%arg5 : memref<8192xi32, #tpu.memory_space<vmem>>)
      tpu.yield
    }) : () -> ()
    %scan3A = arith.constant 0 : i32
    %scan3A_3 = arith.constant 0 : i32
    %scan3A_4 = arith.constant 64 : i32
    %scan3A_5 = arith.addi %scan3A_3, %scan3A_4 : i32
    %scan3A_6 = arith.constant 1 : i32
    scf.for %scan3A_8 = %scan3A_3 to %scan3A_5 step %scan3A_6  : i32 {
      %mul3A_9 = arith.constant 128 : i32
      %mul3A_10 = arith.muli %scan3A_8, %mul3A_9 : i32
      %dma_start3A = tpu.memref_slice %arg5[%mul3A_10] : memref<8192xi32, #tpu.memory_space<vmem>> -> memref<128xi32, #tpu.memory_space<vmem>>
      %dma_start3A_11 = arith.constant 0 : i32
      %dma_start3A_12 = arith.constant 0 : i32
      %dma_start3A_13 = tpu.memref_slice %arg2[%dma_start3A_11, %dma_start3A_12] : memref<32768x128xf32, #tpu.memory_space<hbm>> -> memref<32768x128xf32, #tpu.memory_space<hbm>>
      tpu.enqueue_indirect_dma source(%dma_start3A_13 : memref<32768x128xf32, #tpu.memory_space<hbm>>) target(%arg6 : memref<128x128xf32, #tpu.memory_space<vmem>>) offsets(%dma_start3A : memref<128xi32, #tpu.memory_space<vmem>>) semaphore(%arg7 : memref<!tpu.dma_semaphore, #tpu.memory_space<semaphore_mem>>)
      %dma_wait3A = tpu.memref_slice %arg5[%mul3A_10] : memref<8192xi32, #tpu.memory_space<vmem>> -> memref<128xi32, #tpu.memory_space<vmem>>
      %dma_wait3A_14 = arith.constant 0 : i32
      %dma_wait3A_15 = arith.constant 0 : i32
      %dma_wait3A_16 = tpu.memref_slice %arg2[%dma_wait3A_14, %dma_wait3A_15] : memref<32768x128xf32, #tpu.memory_space<hbm>> -> memref<32768x128xf32, #tpu.memory_space<hbm>>
      tpu.wait_indirect_dma semaphore(%arg7 : memref<!tpu.dma_semaphore, #tpu.memory_space<semaphore_mem>>) src(%dma_wait3A_16 : memref<32768x128xf32, #tpu.memory_space<hbm>>) dst(%arg6 : memref<128x128xf32, #tpu.memory_space<vmem>>)
      %mul3A_17 = arith.constant 128 : i32
      %mul3A_18 = arith.muli %scan3A_8, %mul3A_17 : i32
      %add3A_19 = arith.addi %mul3A_2, %mul3A_18 : i32
      "tpu.region"() ({
        %run_scoped3A = tpu.sem_alloc : memref<!tpu.dma_semaphore, #tpu.memory_space<semaphore_mem>>
        %dma_start3A_20 = arith.constant 0 : i32
        %dma_start3A_21 = tpu.memref_slice %arg4[%add3A_19, %dma_start3A_20] : memref<262144x128xf32, #tpu.memory_space<hbm>> -> memref<128x128xf32, #tpu.memory_space<hbm>>
        %dma_start3A_22 = arith.constant 0 : i32
        %dma_start3A_23 = tpu.memref_slice %arg4[%add3A_19, %dma_start3A_22] : memref<262144x128xf32, #tpu.memory_space<hbm>> -> memref<128x128xf32, #tpu.memory_space<hbm>>
        tpu.enqueue_dma source(%arg6 : memref<128x128xf32, #tpu.memory_space<vmem>>) target(%dma_start3A_23 : memref<128x128xf32, #tpu.memory_space<hbm>>) target_semaphore(%run_scoped3A : memref<!tpu.dma_semaphore, #tpu.memory_space<semaphore_mem>>)
        %dma_wait3A_24 = arith.constant 0 : i32
        %dma_wait3A_25 = tpu.memref_slice %arg4[%add3A_19, %dma_wait3A_24] : memref<262144x128xf32, #tpu.memory_space<hbm>> -> memref<128x128xf32, #tpu.memory_space<hbm>>
        %dma_wait3A_26 = arith.constant 0 : i32
        %dma_wait3A_27 = tpu.memref_slice %arg4[%add3A_19, %dma_wait3A_26] : memref<262144x128xf32, #tpu.memory_space<hbm>> -> memref<128x128xf32, #tpu.memory_space<hbm>>
        tpu.wait_dma2 semaphore(%run_scoped3A : memref<!tpu.dma_semaphore, #tpu.memory_space<semaphore_mem>>) src(%arg6 : memref<128x128xf32, #tpu.memory_space<vmem>>) dst(%dma_wait3A_27 : memref<128x128xf32, #tpu.memory_space<hbm>>)
        tpu.yield
      }) : () -> ()
    }
    %scan3A_7 = arith.constant 64 : i32
    return
  }
}

module attributes {stable_mosaic.version = 14 : i64} {
  func.func @_fps_kernel(%arg0: memref<4x3x64x128xf32, #tpu.memory_space<vmem>>, %arg1: memref<4x3x64x128xf32, #tpu.memory_space<vmem>>, %arg2: memref<4x1024x3xf32, #tpu.memory_space<vmem>>, %arg3: memref<4x1024x3xf32, #tpu.memory_space<vmem>>) attributes {dimension_semantics = [], scalar_prefetch = 0 : i64, scratch_operands = 0 : i64, tpu.core_type = #tpu.core_type<tc>} {
    %get3A = arith.constant 0 : index
    %get3A_0 = arith.constant 0 : index
    %get3A_1 = arith.constant 0 : index
    %get3A_2 = arith.constant 0 : index
    %get3A_3 = vector.load %arg0[%get3A, %get3A_0, %get3A_1, %get3A_2] : memref<4x3x64x128xf32, #tpu.memory_space<vmem>>, vector<4x1x64x128xf32>
    %get3A_4 = vector.shape_cast %get3A_3 : vector<4x1x64x128xf32> to vector<4x64x128xf32>
    %get3A_5 = arith.constant 0 : index
    %get3A_6 = arith.constant 1 : index
    %get3A_7 = arith.constant 0 : index
    %get3A_8 = arith.constant 0 : index
    %get3A_9 = vector.load %arg0[%get3A_5, %get3A_6, %get3A_7, %get3A_8] : memref<4x3x64x128xf32, #tpu.memory_space<vmem>>, vector<4x1x64x128xf32>
    %get3A_10 = vector.shape_cast %get3A_9 : vector<4x1x64x128xf32> to vector<4x64x128xf32>
    %get3A_11 = arith.constant 0 : index
    %get3A_12 = arith.constant 2 : index
    %get3A_13 = arith.constant 0 : index
    %get3A_14 = arith.constant 0 : index
    %get3A_15 = vector.load %arg0[%get3A_11, %get3A_12, %get3A_13, %get3A_14] : memref<4x3x64x128xf32, #tpu.memory_space<vmem>>, vector<4x1x64x128xf32>
    %get3A_16 = vector.shape_cast %get3A_15 : vector<4x1x64x128xf32> to vector<4x64x128xf32>
    %get3A_17 = arith.constant 0 : index
    %get3A_18 = arith.constant 0 : index
    %get3A_19 = arith.constant 0 : index
    %get3A_20 = arith.constant 0 : index
    %get3A_21 = vector.load %arg1[%get3A_17, %get3A_18, %get3A_19, %get3A_20] : memref<4x3x64x128xf32, #tpu.memory_space<vmem>>, vector<4x1x64x128xf32>
    %get3A_22 = vector.shape_cast %get3A_21 : vector<4x1x64x128xf32> to vector<4x64x128xf32>
    %get3A_23 = arith.constant 0 : index
    %get3A_24 = arith.constant 1 : index
    %get3A_25 = arith.constant 0 : index
    %get3A_26 = arith.constant 0 : index
    %get3A_27 = vector.load %arg1[%get3A_23, %get3A_24, %get3A_25, %get3A_26] : memref<4x3x64x128xf32, #tpu.memory_space<vmem>>, vector<4x1x64x128xf32>
    %get3A_28 = vector.shape_cast %get3A_27 : vector<4x1x64x128xf32> to vector<4x64x128xf32>
    %get3A_29 = arith.constant 0 : index
    %get3A_30 = arith.constant 2 : index
    %get3A_31 = arith.constant 0 : index
    %get3A_32 = arith.constant 0 : index
    %get3A_33 = vector.load %arg1[%get3A_29, %get3A_30, %get3A_31, %get3A_32] : memref<4x3x64x128xf32, #tpu.memory_space<vmem>>, vector<4x1x64x128xf32>
    %get3A_34 = vector.shape_cast %get3A_33 : vector<4x1x64x128xf32> to vector<4x64x128xf32>
    %iota3A = tpu.iota {dimensions = array<i32: 1>} : vector<4x64x128xi32>
    %iota3A_35 = tpu.iota {dimensions = array<i32: 2>} : vector<4x64x128xi32>
    %mul3A = arith.constant 128 : i32
    %mul3A_36 = vector.broadcast %mul3A : i32 to vector<4x64x128xi32>
    %mul3A_37 = arith.muli %iota3A, %mul3A_36 : vector<4x64x128xi32>
    %add3A = arith.addi %mul3A_37, %iota3A_35 : vector<4x64x128xi32>
    %broadcast_in_dim3A = arith.constant 1.000000e+10 : f32
    %broadcast_in_dim3A_38 = vector.broadcast %broadcast_in_dim3A : f32 to vector<4x64x128xf32>
    %broadcast_in_dim3A_39 = arith.constant 0 : i32
    %broadcast_in_dim3A_40 = vector.broadcast %broadcast_in_dim3A_39 : i32 to vector<4x1x1xi32>
    %scan3A = arith.constant 1073741824 : i32
    %scan3A_41 = arith.constant 0 : i32
    %scan3A_42 = arith.constant 1024 : i32
    %scan3A_43 = arith.addi %scan3A_41, %scan3A_42 : i32
    %scan3A_44 = arith.constant 1 : i32
    %scan3A_45:2 = scf.for %scan3A_47 = %scan3A_41 to %scan3A_43 step %scan3A_44 iter_args(%scan3A_48 = %broadcast_in_dim3A_38, %scan3A_49 = %broadcast_in_dim3A_40) -> (vector<4x64x128xf32>, vector<4x1x1xi32>)  : i32 {
      %eq3A = vector.broadcast %scan3A_49 : vector<4x1x1xi32> to vector<4x64x128xi32>
      %eq3A_50 = arith.cmpi eq, %add3A, %eq3A : vector<4x64x128xi32>
      %convert_element_type3A = arith.extui %eq3A_50 : vector<4x64x128xi1> to vector<4x64x128xi32>
      %convert_element_type3A_51 = arith.sitofp %convert_element_type3A : vector<4x64x128xi32> to vector<4x64x128xf32>
      %mul3A_52 = arith.mulf %get3A_4, %convert_element_type3A_51 : vector<4x64x128xf32>
      %reduce_sum3A = arith.constant dense<0.000000e+00> : vector<4xf32>
      %reduce_sum3A_53 = vector.multi_reduction <add>, %mul3A_52, %reduce_sum3A [1, 2] : vector<4x64x128xf32> to vector<4xf32>
      %broadcast_in_dim3A_54 = vector.shape_cast %reduce_sum3A_53 : vector<4xf32> to vector<4x1x1xf32>
      %mul3A_55 = arith.mulf %get3A_10, %convert_element_type3A_51 : vector<4x64x128xf32>
      %reduce_sum3A_56 = arith.constant dense<0.000000e+00> : vector<4xf32>
      %reduce_sum3A_57 = vector.multi_reduction <add>, %mul3A_55, %reduce_sum3A_56 [1, 2] : vector<4x64x128xf32> to vector<4xf32>
      %broadcast_in_dim3A_58 = vector.shape_cast %reduce_sum3A_57 : vector<4xf32> to vector<4x1x1xf32>
      %mul3A_59 = arith.mulf %get3A_16, %convert_element_type3A_51 : vector<4x64x128xf32>
      %reduce_sum3A_60 = arith.constant dense<0.000000e+00> : vector<4xf32>
      %reduce_sum3A_61 = vector.multi_reduction <add>, %mul3A_59, %reduce_sum3A_60 [1, 2] : vector<4x64x128xf32> to vector<4xf32>
      %broadcast_in_dim3A_62 = vector.shape_cast %reduce_sum3A_61 : vector<4xf32> to vector<4x1x1xf32>
      %mul3A_63 = arith.mulf %get3A_22, %convert_element_type3A_51 : vector<4x64x128xf32>
      %reduce_sum3A_64 = arith.constant dense<0.000000e+00> : vector<4xf32>
      %reduce_sum3A_65 = vector.multi_reduction <add>, %mul3A_63, %reduce_sum3A_64 [1, 2] : vector<4x64x128xf32> to vector<4xf32>
      %broadcast_in_dim3A_66 = vector.shape_cast %reduce_sum3A_65 : vector<4xf32> to vector<4x1x1xf32>
      %mul3A_67 = arith.mulf %get3A_28, %convert_element_type3A_51 : vector<4x64x128xf32>
      %reduce_sum3A_68 = arith.constant dense<0.000000e+00> : vector<4xf32>
      %reduce_sum3A_69 = vector.multi_reduction <add>, %mul3A_67, %reduce_sum3A_68 [1, 2] : vector<4x64x128xf32> to vector<4xf32>
      %broadcast_in_dim3A_70 = vector.shape_cast %reduce_sum3A_69 : vector<4xf32> to vector<4x1x1xf32>
      %mul3A_71 = arith.mulf %get3A_34, %convert_element_type3A_51 : vector<4x64x128xf32>
      %reduce_sum3A_72 = arith.constant dense<0.000000e+00> : vector<4xf32>
      %reduce_sum3A_73 = vector.multi_reduction <add>, %mul3A_71, %reduce_sum3A_72 [1, 2] : vector<4x64x128xf32> to vector<4xf32>
      %broadcast_in_dim3A_74 = vector.shape_cast %reduce_sum3A_73 : vector<4xf32> to vector<4x1x1xf32>
      %squeeze3A = vector.shape_cast %broadcast_in_dim3A_54 : vector<4x1x1xf32> to vector<4x1xf32>
      %squeeze3A_75 = vector.shape_cast %broadcast_in_dim3A_58 : vector<4x1x1xf32> to vector<4x1xf32>
      %squeeze3A_76 = vector.shape_cast %broadcast_in_dim3A_62 : vector<4x1x1xf32> to vector<4x1xf32>
      %concatenate3A = tpu.concatenate %squeeze3A, %squeeze3A_75, %squeeze3A_76 in 1 : vector<4x1xf32>, vector<4x1xf32>, vector<4x1xf32> -> vector<4x3xf32>
      %broadcast_in_dim3A_77 = vector.shape_cast %concatenate3A : vector<4x3xf32> to vector<4x1x3xf32>
      %swap3A = arith.constant 0 : index
      %swap3A_78 = arith.index_cast %scan3A_47 : i32 to index
      %swap3A_79 = arith.constant 0 : index
      %swap3A_80 = vector.load %arg2[%swap3A, %swap3A_78, %swap3A_79] : memref<4x1024x3xf32, #tpu.memory_space<vmem>>, vector<4x1x3xf32>
      tpu.vector_store %arg2[%swap3A, %swap3A_78, %swap3A_79], %broadcast_in_dim3A_77 {strides = array<i32>} : memref<4x1024x3xf32, #tpu.memory_space<vmem>>, vector<4x1x3xf32>,
      %squeeze3A_81 = vector.shape_cast %broadcast_in_dim3A_66 : vector<4x1x1xf32> to vector<4x1xf32>
      %squeeze3A_82 = vector.shape_cast %broadcast_in_dim3A_70 : vector<4x1x1xf32> to vector<4x1xf32>
      %squeeze3A_83 = vector.shape_cast %broadcast_in_dim3A_74 : vector<4x1x1xf32> to vector<4x1xf32>
      %concatenate3A_84 = tpu.concatenate %squeeze3A_81, %squeeze3A_82, %squeeze3A_83 in 1 : vector<4x1xf32>, vector<4x1xf32>, vector<4x1xf32> -> vector<4x3xf32>
      %broadcast_in_dim3A_85 = vector.shape_cast %concatenate3A_84 : vector<4x3xf32> to vector<4x1x3xf32>
      %swap3A_86 = arith.constant 0 : index
      %swap3A_87 = arith.index_cast %scan3A_47 : i32 to index
      %swap3A_88 = arith.constant 0 : index
      %swap3A_89 = vector.load %arg3[%swap3A_86, %swap3A_87, %swap3A_88] : memref<4x1024x3xf32, #tpu.memory_space<vmem>>, vector<4x1x3xf32>
      tpu.vector_store %arg3[%swap3A_86, %swap3A_87, %swap3A_88], %broadcast_in_dim3A_85 {strides = array<i32>} : memref<4x1024x3xf32, #tpu.memory_space<vmem>>, vector<4x1x3xf32>,
      %sub3A = vector.broadcast %broadcast_in_dim3A_54 : vector<4x1x1xf32> to vector<4x64x128xf32>
      %sub3A_90 = arith.subf %get3A_4, %sub3A : vector<4x64x128xf32>
      %integer_pow3A = arith.mulf %sub3A_90, %sub3A_90 : vector<4x64x128xf32>
      %sub3A_91 = vector.broadcast %broadcast_in_dim3A_58 : vector<4x1x1xf32> to vector<4x64x128xf32>
      %sub3A_92 = arith.subf %get3A_10, %sub3A_91 : vector<4x64x128xf32>
      %integer_pow3A_93 = arith.mulf %sub3A_92, %sub3A_92 : vector<4x64x128xf32>
      %add3A_94 = arith.addf %integer_pow3A, %integer_pow3A_93 : vector<4x64x128xf32>
      %sub3A_95 = vector.broadcast %broadcast_in_dim3A_62 : vector<4x1x1xf32> to vector<4x64x128xf32>
      %sub3A_96 = arith.subf %get3A_16, %sub3A_95 : vector<4x64x128xf32>
      %integer_pow3A_97 = arith.mulf %sub3A_96, %sub3A_96 : vector<4x64x128xf32>
      %add3A_98 = arith.addf %add3A_94, %integer_pow3A_97 : vector<4x64x128xf32>
      %min3A = arith.minimumf %scan3A_48, %add3A_98 : vector<4x64x128xf32>
      %reduce_max3A = arith.constant dense<0xFF800000> : vector<4xf32>
      %reduce_max3A_99 = vector.multi_reduction <maximumf>, %min3A, %reduce_max3A [1, 2] : vector<4x64x128xf32> to vector<4xf32>
      %broadcast_in_dim3A_100 = vector.shape_cast %reduce_max3A_99 : vector<4xf32> to vector<4x1x1xf32>
      %eq3A_101 = vector.broadcast %broadcast_in_dim3A_100 : vector<4x1x1xf32> to vector<4x64x128xf32>
      %eq3A_102 = arith.cmpf oeq, %min3A, %eq3A_101 : vector<4x64x128xf32>
      %broadcast_in_dim3A_103 = vector.broadcast %scan3A : i32 to vector<4x64x128xi32>
      %select_n3A = arith.select %eq3A_102, %add3A, %broadcast_in_dim3A_103 : vector<4x64x128xi1>, vector<4x64x128xi32>
      %reduce_min3A = arith.constant dense<2147483647> : vector<4xi32>
      %reduce_min3A_104 = vector.multi_reduction <minsi>, %select_n3A, %reduce_min3A [1, 2] : vector<4x64x128xi32> to vector<4xi32>
      %broadcast_in_dim3A_105 = vector.shape_cast %reduce_min3A_104 : vector<4xi32> to vector<4x1x1xi32>
      scf.yield %min3A, %broadcast_in_dim3A_105 : vector<4x64x128xf32>, vector<4x1x1xi32>
    }
    %scan3A_46 = arith.constant 1024 : i32
    return
  }
}

module attributes {stable_mosaic.version = 14 : i64} {
  func.func @_maxpool_kernel(%arg0: i32, %arg1: memref<128x64x256xf32, #tpu.memory_space<vmem>>, %arg2: memref<128x256xf32, #tpu.memory_space<vmem>>) attributes {dimension_semantics = [#tpu.dimension_semantics<arbitrary>], iteration_bounds = array<i64: 32>, scalar_prefetch = 0 : i64, scratch_operands = 0 : i64, tpu.core_type = #tpu.core_type<tc>, window_params = [{transform_indices = @transform_0, window_bounds = array<i64: 128, 64, 256>}, {transform_indices = @transform_1, window_bounds = array<i64: 128, 256>}]} {
    %get3A = arith.constant 0 : index
    %get3A_0 = arith.constant 0 : index
    %get3A_1 = arith.constant 0 : index
    %get3A_2 = vector.load %arg1[%get3A, %get3A_0, %get3A_1] : memref<128x64x256xf32, #tpu.memory_space<vmem>>, vector<128x64x256xf32>
    %reduce_max3A = arith.constant dense<0xFF800000> : vector<128x256xf32>
    %reduce_max3A_3 = vector.multi_reduction <maximumf>, %get3A_2, %reduce_max3A [1] : vector<128x64x256xf32> to vector<128x256xf32>
    %swap3A = arith.constant 0 : index
    %swap3A_4 = arith.constant 0 : index
    %swap3A_5 = vector.load %arg2[%swap3A, %swap3A_4] : memref<128x256xf32, #tpu.memory_space<vmem>>, vector<128x256xf32>
    tpu.vector_store %arg2[%swap3A, %swap3A_4], %reduce_max3A_3 {strides = array<i32>} : memref<128x256xf32, #tpu.memory_space<vmem>>, vector<128x256xf32>,
    return
  }
  func.func @transform_0(%arg0: i32) -> (i32, i32, i32) {
    %c0_i32 = arith.constant 0 : i32
    %c0_i32_0 = arith.constant 0 : i32
    %c0_i32_1 = arith.constant 0 : i32
    return %arg0, %c0_i32, %c0_i32_0 : i32, i32, i32
  }
  func.func @transform_1(%arg0: i32) -> (i32, i32) {
    %c0_i32 = arith.constant 0 : i32
    %c0_i32_0 = arith.constant 0 : i32
    return %arg0, %c0_i32 : i32, i32
  }
}

</mosaic_0001>

<sc_bundles>
// kernel: gather_offload_async_start.1
scs
__scs_entry_jumppad:
0x0: {  	(pc) =	sbr.rel $0x88, $3  }
0x1: {  	(tag) =	ssettag $0x0;
	lr =	simm.s32 $0x1  }
0x2: {  	[smem:$0x3F8E] =	sst lr;
	_ =	strace $0xD0000000  }
0x3: {  	_ = 	snop  }
0x4: {  	_ = 	snop  }
0x5: {  	_ = 	snop  }
0x6: {  	_ = 	snop  }
0x7: {  	_ = 	snop  }
__scs_overlays_trampoline_lowered:
0x8: {  	[smem:$0x3F9D] =	sst s0  }
0x9: {  	[smem:$0x3F9E] =	sst s1  }
0xa: {  	[smem:$0x3F9F] =	sst s2  }
0xb: {  	[smem:$0x3FA0] =	sst s3  }
0xc: {  	[smem:$0x3FA1] =	sst s4  }
0xd: {  	[smem:$0x3FA2] =	sst s5  }
0xe: {  	[smem:$0x3FA3] =	sst s6  }
0xf: {  	[smem:$0x3FA4] =	sst s7  }
0x10: {  	[smem:$0x3FA5] =	sst s8  }
0x11: {  	[smem:$0x3FA6] =	sst s9;
	s0 =	simm.s32 @!p0 $0x0  }
0x12: {  	s1 =	sld [smem:$0x3F8C];
	s0 =	simm.s32 @p0 $0x1  }
0x13: {  	[smem:$0x3FA7] =	sst s0;
	s0 =	simm.s32 @!p1 $0x0  }
0x14: {  	s2 =	sld [smem:$0x3F8B];
	s0 =	simm.s32 @p1 $0x1  }
0x15: {  	[smem:$0x3FA8] =	sst s0;
	s0 =	simm.s32 @!p2 $0x0  }
0x16: {  	s3 =	sld [smem:$0x3FDB];
	s0 =	simm.s32 @p2 $0x1  }
0x17: {  	s4 =	simm.s32 $0x1BF5;
	[smem:$0x3FAA] =	sst s0  }
0x18: {  	s0 =	sld [smem:$0x3F8D];
	_ =	swait.ge [sflag:s4], $0x0  }
0x19: {  	s7 =	sld [smem:$0x3F8E]  }
0x1a: {  	s8 =	sadd.s32 $0xFFFFE003, lr  }
0x1b: {  	s9 =	sadd.s32 $0xFFFFFEF7, lr;
	s5 =	simm.s32 $0xFFFFFFFF;
	p2 =	slt.u32 s8, $0xFFFFF086  }
0x1c: {  	p1 =	slt.u32 s9, $0xF7A;
	s5 =	simm.s32 @!p2 $0x0  }
0x1d: {  	s5 =	simm.s32 @p1 $0x1;
	p0 =	seq.s32 s7, s2  }
0x1e: {  	s7 =	smul.u32 @!p0 $0xF7A, s2;
	p2 =	seq.s32 @!p0 s5, $0x0  }
0x1f: {  	s9 =	smul.u32 $0xF7A, s1;
	s8 =	simm.s32 @!p0 $0x1BF5;
	p2 =	por !p2, p0  }
0x20: {  	[sflag:s8] =	ssyncset.s32 @!p0 $0xFFFFF086;
	s6 =	sadd.s32 @!p0 s3, s7;
	s7 =	simm.s32 @!p0 $0x108  }
0x21: {  	s3 =	sadd.s32 s3, s9;
	s6 =	sadd.s32 @!p0 $0x88, s6;
	s7 =	simm.s32 @p2 $0x1082  }
0x22: {  	[simem:s7], [sflag:s8] =	dma.local @!p0 [hbm:s6], $0xF7A  }
0x23: {  	s9 =	sor.u32 $0xD0000000, s2;
	s6 =	simm.s32 $0x108;
	_ =	swait.ge @!p0 [sflag:s8], $0x0  }
0x24: {  	s3 =	sadd.s32 $0x88, s3;
	s6 =	simm.s32 @!p1 $0x1082;
	[sflag:s4] =	ssyncset.s32 $0xFFFFF086  }
0x25: {  	[simem:s6], [sflag:s4] =	dma.local [hbm:s3], $0xF7A  }
0x26: {  	[smem:$0x3F8E] =	sst s1;
	(tag) =	ssettag s2;
	_ =	strace s9  }
0x27: {  	s1 =	sld [smem:$0x3F9E]  }
0x28: {  	s2 =	sld [smem:$0x3F9F]  }
0x29: {  	s4 =	sld [smem:$0x3FA1]  }
0x2a: {  	p0 =	seq.s32 s5, $0x0;
	s5 =	sld [smem:$0x3FA2]  }
0x2b: {  	s6 =	sld [smem:$0x3FA3]  }
0x2c: {  	s7 =	sld [smem:$0x3FA4]  }
0x2d: {  	s3 =	simm.s32 $0x108;
	s8 =	sld [smem:$0x3FA5]  }
0x2e: {  	s3 =	simm.s32 @!p0 $0x1082;
	s9 =	sld [smem:$0x3FA6]  }
0x2f: {  	lr =	sadd.s32 s0, s3;
	s0 =	sld [smem:$0x3F9D]  }
0x30: {  	s3 =	sld [smem:$0x3FA0]  }
0x31: {  	[smem:$0x3FA9] =	sst s10  }
0x32: {  	s10 =	sld [smem:$0x3FA7];
	_ =	sdelay $0x3  }
0x33: {  	p0 =	seq.s32 s10, $0x1;
	s10 =	sld [smem:$0x3FA9];
	_ =	sdelay $0x3  }
0x34: {  	[smem:$0x3FA9] =	sst s10  }
0x35: {  	s10 =	sld [smem:$0x3FA8];
	_ =	sdelay $0x3  }
0x36: {  	p1 =	seq.s32 s10, $0x1;
	s10 =	sld [smem:$0x3FA9];
	_ =	sdelay $0x3  }
0x37: {  	[smem:$0x3FA9] =	sst s10  }
0x38: {  	s10 =	sld [smem:$0x3FAA]  }
0x39: {  	_ = 	snop;
	(pc) =	sbr.ind lr, $3  }
0x3a: {  	_ = 	snop  }
0x3b: {  	_ = 	snop  }
0x3c: {  	p2 =	seq.s32 s10, $0x1;
	s10 =	sld [smem:$0x3FA9]  }
0x3d: {  	_ =	shalt  }
0x3e: {  	_ =	shalt  }
0x3f: {  	_ =	shalt  }
0x40: {  	_ =	shalt  }
0x41: {  	_ =	shalt  }
0x42: {  	_ =	shalt  }
0x43: {  	_ =	shalt  }
0x44: {  	_ =	shalt  }
0x45: {  	_ =	shalt  }
0x46: {  	_ =	shalt  }
0x47: {  	_ =	shalt  }
0x48: {  	_ =	shalt  }
0x49: {  	_ =	shalt  }
0x4a: {  	_ =	shalt  }
0x4b: {  	_ =	shalt  }
0x4c: {  	_ =	shalt  }
0x4d: {  	_ =	shalt  }
0x4e: {  	_ =	shalt  }
0x4f: {  	_ =	shalt  }
0x50: {  	_ =	shalt  }
0x51: {  	_ =	shalt  }
0x52: {  	_ =	shalt  }
0x53: {  	_ =	shalt  }
0x54: {  	_ =	shalt  }
0x55: {  	_ =	shalt  }
0x56: {  	_ =	shalt  }
0x57: {  	_ =	shalt  }
0x58: {  	_ =	shalt  }
0x59: {  	_ =	shalt  }
0x5a: {  	_ =	shalt  }
0x5b: {  	_ =	shalt  }
0x5c: {  	_ =	shalt  }
0x5d: {  	_ =	shalt  }
0x5e: {  	_ =	shalt  }
0x5f: {  	_ =	shalt  }
0x60: {  	_ =	shalt  }
0x61: {  	_ =	shalt  }
0x62: {  	_ =	shalt  }
0x63: {  	_ =	shalt  }
0x64: {  	_ =	shalt  }
0x65: {  	_ =	shalt  }
0x66: {  	_ =	shalt  }
0x67: {  	_ =	shalt  }
0x68: {  	_ =	shalt  }
0x69: {  	_ =	shalt  }
0x6a: {  	_ =	shalt  }
0x6b: {  	_ =	shalt  }
0x6c: {  	_ =	shalt  }
0x6d: {  	_ =	shalt  }
0x6e: {  	_ =	shalt  }
0x6f: {  	_ =	shalt  }
0x70: {  	_ =	shalt  }
0x71: {  	_ =	shalt  }
0x72: {  	_ =	shalt  }
0x73: {  	_ =	shalt  }
0x74: {  	_ =	shalt  }
0x75: {  	_ =	shalt  }
0x76: {  	_ =	shalt  }
0x77: {  	_ =	shalt  }
0x78: {  	_ =	shalt  }
0x79: {  	_ =	shalt  }
0x7a: {  	_ =	shalt  }
0x7b: {  	_ =	shalt  }
0x7c: {  	_ =	shalt  }
0x7d: {  	_ =	shalt  }
0x7e: {  	_ =	shalt  }
0x7f: {  	_ =	shalt  }
0x80: {  	_ =	shalt  }
0x81: {  	_ =	shalt  }
0x82: {  	_ =	shalt  }
0x83: {  	_ =	shalt  }
0x84: {  	_ =	shalt  }
0x85: {  	_ =	shalt  }
0x86: {  	_ =	shalt  }
0x87: {  	_ =	shalt  }
.Lfunc_end0:
.L_simem_size_0:
called_computation.3_lowered:
.L_overlay_start_0:
0x88: {  	s2 =	sld [smem:$0x3FD9]  }
0x89: {  	s3 =	sld [smem:$0x3FFE];
	_ =	sdelay $0x1  }
0x8a: {  	s1 =	srdreg.scid  }
0x8b: {  	s0 =	sand.u32 $0x1, s1  }
0x8c: {  	s16 =	sshll.u32 s0, $0xA;
	s2 =	sadd.s32 s3, s2  }
0x8d: {  	s2 =	sadd.s32 s2, s16  }
0x8e: {  	[smem:$0x3FB5] =	sst s2  }
0x8f: {  	_ = 	snop  }
0x90: {  	(tm) =	ssettm $0x1  }
0x91: {  	s17 =	sld [smem:$0x3FFB];
	_ =	sdelay $0x3  }
0x92: {  	_ =	strace s17  }
0x93: {  	s2 =	sld [smem:$0x3FFC];
	_ =	sdelay $0x3  }
0x94: {  	_ =	strace s2  }
0x95: {  	s2 =	sld [smem:$0x3FFD];
	_ =	sdelay $0x3  }
0x96: {  	_ =	strace s2  }
0x97: {  	_ =	strace $0x8FFFFFFF  }
0x98: {  	s18 =	sld [smem:$0x3FDB];
	_ =	sdelay $0x1  }
0x99: {  	s19 =	simm.s32 $_scs_section_size  }
0x9a: {  	s4 =	simm.s32 $_size__tile_overlayer_lowered;
	s5 =	simm.s32 $_tile_overlayer_lowered  }
0x9b: {  	s22 =	simm.s32 $0x1BFF;
	s21 =	sshll.u32 s5, $0x1;
	s2 =	sadd.s32 s19, s18  }
0x9c: {  	s6 =	simm.s32 $0x0;
	s20 =	sshll.u32 s4, $0x1;
	s4 =	sadd.s32 s21, s2  }
0x9d: {  	[timem:s6], [sflag:s22] =	dma.local [hbm:s4], s20  }
0x9e: {  	_ =	swait.ge [sflag:s22], s20  }
0x9f: {  	s3 =	ssub.s32 $0x0, s20;
	[sflag:s22] =	ssyncset.done $0x0  }
0xa0: {  	[sflag:s22] =	ssyncadd.s32 s3;
	_ =	sdelay $0x1  }
0xa1: {  	s23 =	simm.s32 $0x1B8B  }
0xa2: {  	_ =	swait.ge [sflag:s23], $0x1  }
0xa3: {  	[sflag:s23] =	ssyncset.done $0x0  }
0xa4: {  	s25 =	simm.s32 $0x1B8E;
	s24 =	sld [smem:$0x3FFE];
	[sflag:s23] =	ssyncadd.s32 $0xFFFFFFFF  }
0xa5: {  	s26 =	simm.s32 $execute0_lowered;
	[smem:$0x3FD2] =	sst s25  }
0xa6: {  	s4 =	sshll.u32 s26, $0x1;
	_ =	strace $0x80000052;
	[dreg:$0x1] =	wrdreg $0xFFFFFFFF  }
0xa7: {  	s28 =	simm.s32 $_size_execute0_lowered;
	s2 =	sadd.s32 s2, s4;
	[dreg:$0x0] =	wrdreg $0x0  }
0xa8: {  	s4 =	sshll.u32 s28, $0x1;
	[dreg:$0x2] =	wrdreg s2  }
0xa9: {  	[dreg:$0x3] =	wrdreg s4  }
0xaa: {  	[dreg:$0x4] =	wrdreg $0xC0  }
0xab: {  	_ =	task [dreg:s6], $0x5FFFF  }
0xac: {  	[dreg:$0x1] =	wrdreg $0xFFFFFFFF  }
0xad: {  	[dreg:$0x0] =	wrdreg $0x60  }
0xae: {  	[dreg:$0x2] =	wrdreg s24  }
0xaf: {  	[dreg:$0x3] =	wrdreg $0x9  }
0xb0: {  	_ =	task.clear_ibuf [dreg:s6], $0x4FFFF;
	_ =	strace $0x90000052  }
0xb1: {  	s29 =	simm.s32 $0x9;
	_ =	strace $0x80000054  }
0xb2: {  	_ =	swait.ge [sflag:s29], $0x1  }
0xb3: {  	[sflag:s29] =	ssyncadd.s32 $0xFFFFFFFF  }
0xb4: {  	_ =	strace $0x90000054  }
0xb5: {  	_ =	sfence  }
0xb6: {  	s30 =	sld [smem:$0x0];
	_ =	sdelay $0x2  }
0xb7: {  	s31 =	sshll.u32 s1, $0xD;
	s1 =	sshrl.u32 s1, $0x2  }
0xb8: {  	s3 =	sand.u32 $0x4000, s31;
	s1 =	sadd.s32 s1, s30  }
0xb9: {  	s0 =	sor.u32 s3, s0;
	s1 =	sshll.u32 s1, $0x11  }
0xba: {  	s0 =	sor.u32 s1, s0  }
0xbb: {  	s0 =	sadd.s32 $0x8F2B, s0  }
0xbc: {  	[sflag:s0] =	ssyncadd.remote.s32 $0x1  }
0xbd: {  	_ =	sfence.sel $0xFFFF  }
0xbe: {  	[dreg:$0x0] =	wrdreg $0xFFFFFFFF;
	(pc) =	sbr.abs _section_cstart, $3  }
0xbf: {  	[dreg:$0x1] =	wrdreg $0xFFFFFFFF  }
0xc0: {  	_ =	task.clear_ibuf [dreg:s6], $0x2FFFF;
	_ =	strace $0x9FFFFFFF  }
0xc1: {  	(tm) =	ssettm $0x7FFFFFFF  }
tec
execute0_lowered:
.L_overlay_start_1:
0x0: {  	(tag) =	ssettag $0x1  }
0x1: {  	s0 =	srdreg.scid;
	s5 =	rddreg [dreg:$0x0]  }
0x2: {  	s1 =	stileid.u32;
	s6 =	simm.s32 $0x1;
	s9 =	simm.s32 $0x1  }
0x3: {  	s10 =	simm.s32 $0x3;
	s13 =	simm.s32 $0x0;
	s2 =	sshll.u32 s0, $0xC  }
0x4: {  	s12 =	simm.s32 $0x0;
	s3 =	sshll.u32 s1, $0xD;
	s2 =	sand.u32 $0x1000, s2  }
0x5: {  	s0 =	rddreg [dreg:$0x1];
	_ =	strace $0x80000053;
	s2 =	sor.u32 s3, s2  }
0x6: {  	s4 =	sadd.s32 $0x18200, s5;
	[sflag:s6] =	ssyncpa.u1 $0x0;
	s8 =	ssub.s32 $0x40000, s2  }
.Ltmp0:
0x7: {  	s3 =	sadd.s32 $0x200, s5;
	s7 =	sand.u32 $0x1F000, s8;
	(pc) =	sbr.rel .LBB2_1-.Ltmp0, $4  }
0x8: {  	s5 =	sadd.s32 $0x20200, s5;
	s11 =	smov.u32 s2;
	p0 =	sne.s32 s7, $0x0  }
0x9: {  	s8 =	sshrl.u32 s8, $0x11;
	s7 =	simm.s32 $0x2;
	s9 =	simm.s32 @!p0 $0x0  }
0xa: {  	[sflag:s7] =	ssyncpa.u1 $0x0;
	p0 =	por $0x0, $0x0;
	s8 =	sadd.s32 s9, s8  }
0xb: {  	vm0 =	vmmov $0xffff;
	[sflag:s10] =	ssyncpa.u1 $0x0;
	s10 =	simm.s32 $0x0;
	s9 =	sadd.s32 $0x1, s8  }
.LBB2_4:
0xc: {  	v3 =	vshrl.u32 v0, $0x2;
	v4 =	vshrl.u32 v0, $0xC;
	v1 =	vor.u32 v1, v2  }
0xd: {  	v62 =	vshll.u32 v0, $0x10;
	v60 =	vand.u32 $0x3FF, v3;
	v61 =	vand.u32 $0x3F, v4  }
0xe: {  	v0 =	vand.u32 $0x30000, v62;
	v2 =	vsel vm1, $0xFFFFFFFF, v60;
	v3 =	vsel vm1, $0xFFFFFFFF, v61  }
0xf: {  	v0 =	vsel vm1, $0xFFFF0000, v0;
	v63 =	vand.u32 $0x7F, v2;
	v5 =	vshll.u32 v3, $0xA  }
0x10: {  	v2 =	vshll.u32 v2, $0x3;
	v5 =	vand.u32 $0xFFFFE000, v5;
	v0 =	vor.u32 v0, v63  }
0x11: {  	v3 =	vshll.u32 v3, $0x7;
	v2 =	vand.u32 $0xFFFFFC00, v2;
	v0 =	vadd.s32 v5, v0  }
0x12: {  	v3 =	vand.u32 $0x380, v3;
	v0 =	vadd.s32 v2, v0  }
0x13: {  	v0 =	vor.u32 v3, v0;
	_ =	sdelay $0x1  }
0x14: {  	(ifvalue) =	ssetifvalue $0x7FFFFFFF;
	s14 =	sadd.s32 $0x10, s14  }
0x15: {  	[tilespmem:s14], [sflag:$0x1] =	stream.indirect_vreg.gather [hbm4b:s3+s10], $0x1, v1, vm0, $0x4038;
	[tilespmem:$0x4000] =	vst v63  }
0x16: {  	(ifvalue) =	ssetifvalue $0x7FFFFFFF;
	s14 =	sadd.s32 $0x10, s14  }
0x17: {  	[tilespmem:s14], [sflag:$0x1] =	stream.indirect_vreg.gather [hbm4b:s3+s10], $0x1, v0, vm0, $0x4038;
	[tilespmem:$0x4000] =	vst v63  }
0x18: {  	_ =	swait.ge [sflag:s6], $0x1000  }
0x19: {  	s30 =	sshrl.u32 s13, $0x3;
	[sflag:s6] =	ssyncset.done $0x0  }
0x1a: {  	s31 =	sand.u32 $0x7, s13;
	s14 =	sadd.s32 s5, s30;
	[sflag:s6] =	ssyncadd.s32 $0xFFFFF000  }
0x1b: {  	[hbm4b:s14+s31] =	stream.linear.scatter [tilespmem:s15], [sflag:$0x3], $0x1000, $0x38;
	[tilespmem:$0x4000] =	vst v63  }
.LBB2_5:
0x1c: {  	s15 =	sadd.s32 $0x20000, s11  }
0x1d: {  	p2 =	sgt.s32 s15, $0x3FFFF  }
0x1e: {  	s15 =	smov.u32 @p2 s2;
	p2 =	sne.s32 s12, s9  }
.Ltmp1:
0x1f: {  	p1 =	slt.u32 s12, $0x2;
	(pc) =	sbr.rel @!p2 .LBB2_6-.Ltmp1, $4  }
0x20: {  	s14 =	simm.s32 @!p1 $0x3  }
0x21: {  	s16 =	sadd.s32 $0x1, s12;
	_ =	swait.ge @!p1 [sflag:s14], $0x1000  }
0x22: {  	s13 =	smov.u32 s11;
	p0 =	por !p0, !p0;
	[sflag:s14] =	ssyncset.done @!p1 $0x0  }
0x23: {  	s12 =	smov.u32 s16;
	s11 =	smov.u32 s15;
	[sflag:s14] =	ssyncadd.s32 @!p1 $0xFFFFF000  }
.LBB2_1:
0x24: {  	p1 =	sge.u32 s12, s8  }
0x25: {  	s14 =	sxor.u32 @!p1 $0xFFFFFFFF, s12  }
0x26: {  	s31 =	sadd.s32 $0xFFFFFFFF, s12;
	s15 =	sshrl.u32 @!p1 s11, $0x3;
	s14 =	sshll.u32 @!p1 s14, $0xC  }
0x27: {  	s16 =	sand.u32 @!p1 $0x7, s11;
	s15 =	sadd.s32 @!p1 s4, s15;
	s14 =	sand.u32 @!p1 $0x1000, s14  }
0x28: {  	[tilespmem:s14], [sflag:$0x2] =	stream.linear.gather @!p1 [hbm4b:s15+s16], $0x1000, $0x38;
	[tilespmem:$0x4000] =	vst v63  }
0x29: {  	p1 =	sge.u32 s31, s8  }
.Ltmp2:
0x2a: {  	_ = 	snop;
	(pc) =	sbr.rel @p1 .LBB2_5-.Ltmp2, $1  }
0x2b: {  	_ =	sdelay $0x3  }
0x2c: {  	s14 =	simm.s32 $0x1  }
0x2d: {  	_ =	swait.ge [sflag:s7], $0x1000;
	s14 =	simm.s32 @!p0 $0x0  }
0x2e: {  	[sflag:s7] =	ssyncset.done $0x0;
	s14 =	sshll.u32 s14, $0xC  }
0x2f: {  	[sflag:s7] =	ssyncadd.s32 $0xFFFFF000;
	(ifvalue) =	ssetifvalue $0x7FFFFFFF;
	v0 =	vld.msk [tilespmem:s14+$0x0 ss:$0x1], $0xffff;
	_ =	sdelay $0x4  }
0x30: {  	s15 =	sadd.s32 $0x10, s14;
	vm1 =	veq.s32 v0, $0x80000000;
	v1 =	vshrl.u32 v0, $0x2;
	v2 =	vshrl.u32 v0, $0xC  }
0x31: {  	v3 =	vld.msk [tilespmem:s15+$0x0 ss:$0x1], $0xffff;
	v0 =	vshll.u32 v0, $0x10;
	v1 =	vand.u32 $0x3FF, v1;
	v2 =	vand.u32 $0x3F, v2  }
0x32: {  	v0 =	vand.u32 $0x30000, v0;
	v1 =	vsel vm1, $0xFFFFFFFF, v1;
	v2 =	vsel vm1, $0xFFFFFFFF, v2  }
0x33: {  	v0 =	vsel vm1, $0xFFFF0000, v0;
	v4 =	vand.u32 $0x7F, v1;
	v5 =	vshll.u32 v2, $0xA  }
0x34: {  	v1 =	vshll.u32 v1, $0x3;
	v5 =	vand.u32 $0xFFFFE000, v5;
	v0 =	vor.u32 v0, v4  }
0x35: {  	v2 =	vshll.u32 v2, $0x7;
	v1 =	vand.u32 $0xFFFFFC00, v1;
	v0 =	vadd.s32 v5, v0  }
0x36: {  	v62 =	vshrl.u32 v3, $0xC;
	v2 =	vand.u32 $0x380, v2;
	v0 =	vadd.s32 v1, v0  }
0x37: {  	s17 =	sadd.s32 $0x10, s15;
	vm1 =	veq.s32 v3, $0x80000000;
	v1 =	vor.u32 v2, v0;
	v2 =	vshrl.u32 v3, $0x2  }
0x38: {  	v4 =	vand.u32 $0x3F, v62;
	v0 =	vld.msk [tilespmem:s17+$0x0 ss:$0x1], $0xffff;
	v3 =	vshll.u32 v3, $0x10;
	v2 =	vand.u32 $0x3FF, v2  }
0x39: {  	v4 =	vsel vm1, $0xFFFFFFFF, v4;
	v3 =	vand.u32 $0x30000, v3;
	v2 =	vsel vm1, $0xFFFFFFFF, v2  }
0x3a: {  	s31 =	sshll.u32 s12, $0xC;
	v6 =	vshll.u32 v4, $0xA;
	v3 =	vsel vm1, $0xFFFF0000, v3;
	v63 =	vand.u32 $0x7F, v2  }
0x3b: {  	s14 =	sor.u32 $0x2000, s14;
	s15 =	sand.u32 $0x1000, s31;
	(ifvalue) =	ssetifvalue $0x7FFFFFFF;
	v6 =	vand.u32 $0xFFFFE000, v6;
	v2 =	vshll.u32 v2, $0x3;
	v3 =	vor.u32 v3, v63  }
0x3c: {  	v2 =	vand.u32 $0xFFFFFC00, v2;
	[tilespmem:s14], [sflag:$0x1] =	stream.indirect_vreg.gather [hbm4b:s3+s10], $0x1, v1, vm0, $0x4038;
	v1 =	vshll.u32 v4, $0x7;
	v3 =	vadd.s32 v6, v3;
	[tilespmem:$0x4000] =	vst v63  }
0x3d: {  	s16 =	simm.s32 $0x20;
	s15 =	sor.u32 $0x2000, s15;
	s17 =	sadd.s32 $0x10, s17;
	vm1 =	veq.s32 v0, $0x80000000;
	v1 =	vand.u32 $0x380, v1;
	v2 =	vadd.s32 v2, v3  }
.LBB2_3:
0x3e: {  	v3 =	vld.msk [tilespmem:s17+$0x0 ss:$0x1], $0xffff;
	v4 =	vshrl.u32 v0, $0x2;
	v5 =	vshrl.u32 v0, $0xC;
	v1 =	vor.u32 v1, v2;
	s16 =	sadd.s32 $0x10, s16  }
0x3f: {  	v0 =	vshll.u32 v0, $0x10;
	v2 =	vand.u32 $0x3FF, v4;
	v4 =	vand.u32 $0x3F, v5;
	p1 =	slt.u32 s16, $0xFF0  }
.Ltmp3:
0x40: {  	v0 =	vand.u32 $0x30000, v0;
	v2 =	vsel vm1, $0xFFFFFFFF, v2;
	v4 =	vsel vm1, $0xFFFFFFFF, v4;
	(pc) =	sbr.rel @p1 .LBB2_3-.Ltmp3, $4  }
0x41: {  	v0 =	vsel vm1, $0xFFFF0000, v0;
	v5 =	vand.u32 $0x7F, v2;
	v6 =	vshll.u32 v4, $0xA  }
0x42: {  	s14 =	sadd.s32 $0x10, s14;
	v2 =	vshll.u32 v2, $0x3;
	v6 =	vand.u32 $0xFFFFE000, v6;
	v7 =	vor.u32 v0, v5;
	(ifvalue) =	ssetifvalue $0x7FFFFFFF  }
0x43: {  	v4 =	vshll.u32 v4, $0x7;
	v2 =	vand.u32 $0xFFFFFC00, v2;
	v5 =	vadd.s32 v6, v7;
	[tilespmem:s14], [sflag:$0x1] =	stream.indirect_vreg.gather [hbm4b:s3+s10], $0x1, v1, vm0, $0x4038;
	[tilespmem:$0x4000] =	vst v63  }
0x44: {  	s17 =	sadd.s32 $0x10, s17;
	vm1 =	veq.s32 v3, $0x80000000;
	v1 =	vand.u32 $0x380, v4;
	v0 =	vmovc v3;
	v2 =	vadd.s32 v2, v5  }
.Ltmp4:
0x45: {  	_ = 	snop;
	(pc) =	sbr.rel .LBB2_4-.Ltmp4, $1  }
0x46: {  	_ =	sdelay $0x3  }
.LBB2_6:
0x47: {  	_ =	sfence.sel $0x180000  }
0x48: {  	s2 =	simm.s32 $0x2;
	[bflag:$0x0] =	sbarrier.arrive $0xFFFF  }
0x49: {  	s30 =	simm.s32 $0x3;
	[sflag:s2] =	ssyncpa.u1 $0x1  }
0x4a: {  	s31 =	simm.s32 $0x1;
	[sflag:s30] =	ssyncpa.u1 $0x1  }
0x4b: {  	[sflag:s31] =	ssyncpa.u1 $0x1  }
0x4c: {  	p0 =	sne.s32 s1, $0x0;
	_ =	strace $0x90000053  }
0x4d: {  	s0 =	sadd.s32 @!p0 $0x100000, s0;
	[bflag:$0x2] =	sbarrier.arrive $0xFFFF  }
0x4e: {  	[sflag:s0] =	ssyncadd.tile.s32 @!p0 $0x1;
	_ =	shalt  }
.Lfunc_end2:
_tile_overlayer_lowered:
.L_overlay_start_2:
0x4f: {  	(tag) =	ssettag $0x2  }
0x50: {  	s0 =	rddreg [dreg:$0x0];
	s2 =	stileid.u32  }
0x51: {  	s1 =	rddreg [dreg:$0x1];
	p0 =	sne.s32 s2, $0x0  }
0x52: {  	s3 =	rddreg [dreg:$0x2];
	[bflag:$0x3] =	sbarrier.arrive $0xFFFF;
	s2 =	simm.s32 @!p0 $0x1C01  }
0x53: {  	[timem:s3], [sflag:s2] =	dma.local @!p0 [hbm:s0], s1  }
0x54: {  	s0 =	simm.s32 @!p0 $0x1  }
0x55: {  	_ =	swait.ge @!p0 [sflag:s0], s1  }
0x56: {  	s1 =	ssub.s32 @!p0 $0x0, s1;
	[sflag:s0] =	ssyncset.done @!p0 $0x0  }
0x57: {  	[sflag:s0] =	ssyncadd.s32 @!p0 s1  }
0x58: {  	[bflag:$0x3] =	sbarrier.arrive $0xFFFF  }
0x59: {  	_ =	shalt  }

// kernel: gather_offload_async_start.2
scs
__scs_entry_jumppad:
0x0: {  	(pc) =	sbr.rel $0x88, $3  }
0x1: {  	(tag) =	ssettag $0x0;
	lr =	simm.s32 $0x1  }
0x2: {  	[smem:$0x3F8E] =	sst lr;
	_ =	strace $0xD0000000  }
0x3: {  	_ = 	snop  }
0x4: {  	_ = 	snop  }
0x5: {  	_ = 	snop  }
0x6: {  	_ = 	snop  }
0x7: {  	_ = 	snop  }
__scs_overlays_trampoline_lowered:
0x8: {  	[smem:$0x3F9D] =	sst s0  }
0x9: {  	[smem:$0x3F9E] =	sst s1  }
0xa: {  	[smem:$0x3F9F] =	sst s2  }
0xb: {  	[smem:$0x3FA0] =	sst s3  }
0xc: {  	[smem:$0x3FA1] =	sst s4  }
0xd: {  	[smem:$0x3FA2] =	sst s5  }
0xe: {  	[smem:$0x3FA3] =	sst s6  }
0xf: {  	[smem:$0x3FA4] =	sst s7  }
0x10: {  	[smem:$0x3FA5] =	sst s8  }
0x11: {  	[smem:$0x3FA6] =	sst s9;
	s0 =	simm.s32 @!p0 $0x0  }
0x12: {  	s1 =	sld [smem:$0x3F8C];
	s0 =	simm.s32 @p0 $0x1  }
0x13: {  	[smem:$0x3FA7] =	sst s0;
	s0 =	simm.s32 @!p1 $0x0  }
0x14: {  	s2 =	sld [smem:$0x3F8B];
	s0 =	simm.s32 @p1 $0x1  }
0x15: {  	[smem:$0x3FA8] =	sst s0;
	s0 =	simm.s32 @!p2 $0x0  }
0x16: {  	s3 =	sld [smem:$0x3FDB];
	s0 =	simm.s32 @p2 $0x1  }
0x17: {  	s4 =	simm.s32 $0x1BF5;
	[smem:$0x3FAA] =	sst s0  }
0x18: {  	s0 =	sld [smem:$0x3F8D];
	_ =	swait.ge [sflag:s4], $0x0  }
0x19: {  	s7 =	sld [smem:$0x3F8E]  }
0x1a: {  	s8 =	sadd.s32 $0xFFFFE003, lr  }
0x1b: {  	s9 =	sadd.s32 $0xFFFFFEF7, lr;
	s5 =	simm.s32 $0xFFFFFFFF;
	p2 =	slt.u32 s8, $0xFFFFF086  }
0x1c: {  	p1 =	slt.u32 s9, $0xF7A;
	s5 =	simm.s32 @!p2 $0x0  }
0x1d: {  	s5 =	simm.s32 @p1 $0x1;
	p0 =	seq.s32 s7, s2  }
0x1e: {  	s7 =	smul.u32 @!p0 $0xF7A, s2;
	p2 =	seq.s32 @!p0 s5, $0x0  }
0x1f: {  	s9 =	smul.u32 $0xF7A, s1;
	s8 =	simm.s32 @!p0 $0x1BF5;
	p2 =	por !p2, p0  }
0x20: {  	[sflag:s8] =	ssyncset.s32 @!p0 $0xFFFFF086;
	s6 =	sadd.s32 @!p0 s3, s7;
	s7 =	simm.s32 @!p0 $0x108  }
0x21: {  	s3 =	sadd.s32 s3, s9;
	s6 =	sadd.s32 @!p0 $0x88, s6;
	s7 =	simm.s32 @p2 $0x1082  }
0x22: {  	[simem:s7], [sflag:s8] =	dma.local @!p0 [hbm:s6], $0xF7A  }
0x23: {  	s9 =	sor.u32 $0xD0000000, s2;
	s6 =	simm.s32 $0x108;
	_ =	swait.ge @!p0 [sflag:s8], $0x0  }
0x24: {  	s3 =	sadd.s32 $0x88, s3;
	s6 =	simm.s32 @!p1 $0x1082;
	[sflag:s4] =	ssyncset.s32 $0xFFFFF086  }
0x25: {  	[simem:s6], [sflag:s4] =	dma.local [hbm:s3], $0xF7A  }
0x26: {  	[smem:$0x3F8E] =	sst s1;
	(tag) =	ssettag s2;
	_ =	strace s9  }
0x27: {  	s1 =	sld [smem:$0x3F9E]  }
0x28: {  	s2 =	sld [smem:$0x3F9F]  }
0x29: {  	s4 =	sld [smem:$0x3FA1]  }
0x2a: {  	p0 =	seq.s32 s5, $0x0;
	s5 =	sld [smem:$0x3FA2]  }
0x2b: {  	s6 =	sld [smem:$0x3FA3]  }
0x2c: {  	s7 =	sld [smem:$0x3FA4]  }
0x2d: {  	s3 =	simm.s32 $0x108;
	s8 =	sld [smem:$0x3FA5]  }
0x2e: {  	s3 =	simm.s32 @!p0 $0x1082;
	s9 =	sld [smem:$0x3FA6]  }
0x2f: {  	lr =	sadd.s32 s0, s3;
	s0 =	sld [smem:$0x3F9D]  }
0x30: {  	s3 =	sld [smem:$0x3FA0]  }
0x31: {  	[smem:$0x3FA9] =	sst s10  }
0x32: {  	s10 =	sld [smem:$0x3FA7];
	_ =	sdelay $0x3  }
0x33: {  	p0 =	seq.s32 s10, $0x1;
	s10 =	sld [smem:$0x3FA9];
	_ =	sdelay $0x3  }
0x34: {  	[smem:$0x3FA9] =	sst s10  }
0x35: {  	s10 =	sld [smem:$0x3FA8];
	_ =	sdelay $0x3  }
0x36: {  	p1 =	seq.s32 s10, $0x1;
	s10 =	sld [smem:$0x3FA9];
	_ =	sdelay $0x3  }
0x37: {  	[smem:$0x3FA9] =	sst s10  }
0x38: {  	s10 =	sld [smem:$0x3FAA]  }
0x39: {  	_ = 	snop;
	(pc) =	sbr.ind lr, $3  }
0x3a: {  	_ = 	snop  }
0x3b: {  	_ = 	snop  }
0x3c: {  	p2 =	seq.s32 s10, $0x1;
	s10 =	sld [smem:$0x3FA9]  }
0x3d: {  	_ =	shalt  }
0x3e: {  	_ =	shalt  }
0x3f: {  	_ =	shalt  }
0x40: {  	_ =	shalt  }
0x41: {  	_ =	shalt  }
0x42: {  	_ =	shalt  }
0x43: {  	_ =	shalt  }
0x44: {  	_ =	shalt  }
0x45: {  	_ =	shalt  }
0x46: {  	_ =	shalt  }
0x47: {  	_ =	shalt  }
0x48: {  	_ =	shalt  }
0x49: {  	_ =	shalt  }
0x4a: {  	_ =	shalt  }
0x4b: {  	_ =	shalt  }
0x4c: {  	_ =	shalt  }
0x4d: {  	_ =	shalt  }
0x4e: {  	_ =	shalt  }
0x4f: {  	_ =	shalt  }
0x50: {  	_ =	shalt  }
0x51: {  	_ =	shalt  }
0x52: {  	_ =	shalt  }
0x53: {  	_ =	shalt  }
0x54: {  	_ =	shalt  }
0x55: {  	_ =	shalt  }
0x56: {  	_ =	shalt  }
0x57: {  	_ =	shalt  }
0x58: {  	_ =	shalt  }
0x59: {  	_ =	shalt  }
0x5a: {  	_ =	shalt  }
0x5b: {  	_ =	shalt  }
0x5c: {  	_ =	shalt  }
0x5d: {  	_ =	shalt  }
0x5e: {  	_ =	shalt  }
0x5f: {  	_ =	shalt  }
0x60: {  	_ =	shalt  }
0x61: {  	_ =	shalt  }
0x62: {  	_ =	shalt  }
0x63: {  	_ =	shalt  }
0x64: {  	_ =	shalt  }
0x65: {  	_ =	shalt  }
0x66: {  	_ =	shalt  }
0x67: {  	_ =	shalt  }
0x68: {  	_ =	shalt  }
0x69: {  	_ =	shalt  }
0x6a: {  	_ =	shalt  }
0x6b: {  	_ =	shalt  }
0x6c: {  	_ =	shalt  }
0x6d: {  	_ =	shalt  }
0x6e: {  	_ =	shalt  }
0x6f: {  	_ =	shalt  }
0x70: {  	_ =	shalt  }
0x71: {  	_ =	shalt  }
0x72: {  	_ =	shalt  }
0x73: {  	_ =	shalt  }
0x74: {  	_ =	shalt  }
0x75: {  	_ =	shalt  }
0x76: {  	_ =	shalt  }
0x77: {  	_ =	shalt  }
0x78: {  	_ =	shalt  }
0x79: {  	_ =	shalt  }
0x7a: {  	_ =	shalt  }
0x7b: {  	_ =	shalt  }
0x7c: {  	_ =	shalt  }
0x7d: {  	_ =	shalt  }
0x7e: {  	_ =	shalt  }
0x7f: {  	_ =	shalt  }
0x80: {  	_ =	shalt  }
0x81: {  	_ =	shalt  }
0x82: {  	_ =	shalt  }
0x83: {  	_ =	shalt  }
0x84: {  	_ =	shalt  }
0x85: {  	_ =	shalt  }
0x86: {  	_ =	shalt  }
0x87: {  	_ =	shalt  }
.Lfunc_end0:
.L_simem_size_0:
called_computation.4_lowered:
.L_overlay_start_0:
0x88: {  	s2 =	sld [smem:$0x3FD9]  }
0x89: {  	s3 =	sld [smem:$0x3FFE];
	_ =	sdelay $0x1  }
0x8a: {  	s1 =	srdreg.scid  }
0x8b: {  	s0 =	sand.u32 $0x1, s1  }
0x8c: {  	s16 =	sshll.u32 s0, $0xA;
	s2 =	sadd.s32 s3, s2  }
0x8d: {  	s2 =	sadd.s32 s2, s16  }
0x8e: {  	[smem:$0x3FB5] =	sst s2  }
0x8f: {  	_ = 	snop  }
0x90: {  	(tm) =	ssettm $0x1  }
0x91: {  	s17 =	sld [smem:$0x3FFB];
	_ =	sdelay $0x3  }
0x92: {  	_ =	strace s17  }
0x93: {  	s2 =	sld [smem:$0x3FFC];
	_ =	sdelay $0x3  }
0x94: {  	_ =	strace s2  }
0x95: {  	s2 =	sld [smem:$0x3FFD];
	_ =	sdelay $0x3  }
0x96: {  	_ =	strace s2  }
0x97: {  	_ =	strace $0x8FFFFFFF  }
0x98: {  	s18 =	sld [smem:$0x3FDB];
	_ =	sdelay $0x1  }
0x99: {  	s19 =	simm.s32 $_scs_section_size  }
0x9a: {  	s4 =	simm.s32 $_size__tile_overlayer_lowered;
	s5 =	simm.s32 $_tile_overlayer_lowered  }
0x9b: {  	s22 =	simm.s32 $0x1BFF;
	s21 =	sshll.u32 s5, $0x1;
	s2 =	sadd.s32 s19, s18  }
0x9c: {  	s6 =	simm.s32 $0x0;
	s20 =	sshll.u32 s4, $0x1;
	s4 =	sadd.s32 s21, s2  }
0x9d: {  	[timem:s6], [sflag:s22] =	dma.local [hbm:s4], s20  }
0x9e: {  	_ =	swait.ge [sflag:s22], s20  }
0x9f: {  	s3 =	ssub.s32 $0x0, s20;
	[sflag:s22] =	ssyncset.done $0x0  }
0xa0: {  	[sflag:s22] =	ssyncadd.s32 s3;
	_ =	sdelay $0x1  }
0xa1: {  	s23 =	simm.s32 $0x1B8B  }
0xa2: {  	_ =	swait.ge [sflag:s23], $0x1  }
0xa3: {  	[sflag:s23] =	ssyncset.done $0x0  }
0xa4: {  	s25 =	simm.s32 $0x1B8E;
	s24 =	sld [smem:$0x3FFE];
	[sflag:s23] =	ssyncadd.s32 $0xFFFFFFFF  }
0xa5: {  	s26 =	simm.s32 $execute0_lowered;
	[smem:$0x3FD2] =	sst s25  }
0xa6: {  	s4 =	sshll.u32 s26, $0x1;
	_ =	strace $0x8000004F;
	[dreg:$0x1] =	wrdreg $0xFFFFFFFF  }
0xa7: {  	s28 =	simm.s32 $_size_execute0_lowered;
	s2 =	sadd.s32 s2, s4;
	[dreg:$0x0] =	wrdreg $0x0  }
0xa8: {  	s4 =	sshll.u32 s28, $0x1;
	[dreg:$0x2] =	wrdreg s2  }
0xa9: {  	[dreg:$0x3] =	wrdreg s4  }
0xaa: {  	[dreg:$0x4] =	wrdreg $0xC0  }
0xab: {  	_ =	task [dreg:s6], $0x5FFFF  }
0xac: {  	[dreg:$0x1] =	wrdreg $0xFFFFFFFF  }
0xad: {  	[dreg:$0x0] =	wrdreg $0x60  }
0xae: {  	[dreg:$0x2] =	wrdreg s24  }
0xaf: {  	[dreg:$0x3] =	wrdreg $0x9  }
0xb0: {  	_ =	task.clear_ibuf [dreg:s6], $0x4FFFF;
	_ =	strace $0x9000004F  }
0xb1: {  	s29 =	simm.s32 $0x9;
	_ =	strace $0x80000051  }
0xb2: {  	_ =	swait.ge [sflag:s29], $0x1  }
0xb3: {  	[sflag:s29] =	ssyncadd.s32 $0xFFFFFFFF  }
0xb4: {  	_ =	strace $0x90000051  }
0xb5: {  	_ =	sfence  }
0xb6: {  	s30 =	sld [smem:$0x0];
	_ =	sdelay $0x2  }
0xb7: {  	s31 =	sshll.u32 s1, $0xD;
	s1 =	sshrl.u32 s1, $0x2  }
0xb8: {  	s3 =	sand.u32 $0x4000, s31;
	s1 =	sadd.s32 s1, s30  }
0xb9: {  	s0 =	sor.u32 s3, s0;
	s1 =	sshll.u32 s1, $0x11  }
0xba: {  	s0 =	sor.u32 s1, s0  }
0xbb: {  	s0 =	sadd.s32 $0x8F2B, s0  }
0xbc: {  	[sflag:s0] =	ssyncadd.remote.s32 $0x1  }
0xbd: {  	_ =	sfence.sel $0xFFFF  }
0xbe: {  	[dreg:$0x0] =	wrdreg $0xFFFFFFFF;
	(pc) =	sbr.abs _section_cstart, $3  }
0xbf: {  	[dreg:$0x1] =	wrdreg $0xFFFFFFFF  }
0xc0: {  	_ =	task.clear_ibuf [dreg:s6], $0x2FFFF;
	_ =	strace $0x9FFFFFFF  }
0xc1: {  	(tm) =	ssettm $0x7FFFFFFF  }
tec
execute0_lowered:
.L_overlay_start_1:
0x0: {  	(tag) =	ssettag $0x1  }
0x1: {  	s0 =	srdreg.scid;
	s5 =	rddreg [dreg:$0x0]  }
0x2: {  	s1 =	stileid.u32;
	s6 =	simm.s32 $0x1;
	s9 =	simm.s32 $0x1  }
0x3: {  	s10 =	simm.s32 $0x3;
	s13 =	simm.s32 $0x0;
	s2 =	sshll.u32 s0, $0xC  }
0x4: {  	s12 =	simm.s32 $0x0;
	s3 =	sshll.u32 s1, $0xD;
	s2 =	sand.u32 $0x1000, s2  }
0x5: {  	s0 =	rddreg [dreg:$0x1];
	_ =	strace $0x80000050;
	s2 =	sor.u32 s3, s2  }
0x6: {  	s4 =	sadd.s32 $0x18200, s5;
	[sflag:s6] =	ssyncpa.u1 $0x0;
	s8 =	ssub.s32 $0x40000, s2  }
.Ltmp0:
0x7: {  	s3 =	sadd.s32 $0x8200, s5;
	s7 =	sand.u32 $0x1F000, s8;
	(pc) =	sbr.rel .LBB2_1-.Ltmp0, $4  }
0x8: {  	s5 =	sadd.s32 $0x20200, s5;
	s11 =	smov.u32 s2;
	p0 =	sne.s32 s7, $0x0  }
0x9: {  	s8 =	sshrl.u32 s8, $0x11;
	s7 =	simm.s32 $0x2;
	s9 =	simm.s32 @!p0 $0x0  }
0xa: {  	[sflag:s7] =	ssyncpa.u1 $0x0;
	p0 =	por $0x0, $0x0;
	s8 =	sadd.s32 s9, s8  }
0xb: {  	vm0 =	vmmov $0xffff;
	[sflag:s10] =	ssyncpa.u1 $0x0;
	s10 =	simm.s32 $0x0;
	s9 =	sadd.s32 $0x1, s8  }
.LBB2_4:
0xc: {  	v3 =	vshrl.u32 v0, $0x2;
	v4 =	vshrl.u32 v0, $0xC;
	v1 =	vor.u32 v1, v2  }
0xd: {  	v62 =	vshll.u32 v0, $0x10;
	v60 =	vand.u32 $0x3FF, v3;
	v61 =	vand.u32 $0x3F, v4  }
0xe: {  	v0 =	vand.u32 $0x30000, v62;
	v2 =	vsel vm1, $0xFFFFFFFF, v60;
	v3 =	vsel vm1, $0xFFFFFFFF, v61  }
0xf: {  	v0 =	vsel vm1, $0xFFFF0000, v0;
	v63 =	vand.u32 $0x7F, v2;
	v5 =	vshll.u32 v3, $0xA  }
0x10: {  	v2 =	vshll.u32 v2, $0x3;
	v5 =	vand.u32 $0xFFFFE000, v5;
	v0 =	vor.u32 v0, v63  }
0x11: {  	v3 =	vshll.u32 v3, $0x7;
	v2 =	vand.u32 $0xFFFFFC00, v2;
	v0 =	vadd.s32 v5, v0  }
0x12: {  	v3 =	vand.u32 $0x380, v3;
	v0 =	vadd.s32 v2, v0  }
0x13: {  	v0 =	vor.u32 v3, v0;
	_ =	sdelay $0x1  }
0x14: {  	(ifvalue) =	ssetifvalue $0x7FFFFFFF;
	s14 =	sadd.s32 $0x10, s14  }
0x15: {  	[tilespmem:s14], [sflag:$0x1] =	stream.indirect_vreg.gather [hbm4b:s3+s10], $0x1, v1, vm0, $0x4038;
	[tilespmem:$0x4000] =	vst v63  }
0x16: {  	(ifvalue) =	ssetifvalue $0x7FFFFFFF;
	s14 =	sadd.s32 $0x10, s14  }
0x17: {  	[tilespmem:s14], [sflag:$0x1] =	stream.indirect_vreg.gather [hbm4b:s3+s10], $0x1, v0, vm0, $0x4038;
	[tilespmem:$0x4000] =	vst v63  }
0x18: {  	_ =	swait.ge [sflag:s6], $0x1000  }
0x19: {  	s30 =	sshrl.u32 s13, $0x3;
	[sflag:s6] =	ssyncset.done $0x0  }
0x1a: {  	s31 =	sand.u32 $0x7, s13;
	s14 =	sadd.s32 s5, s30;
	[sflag:s6] =	ssyncadd.s32 $0xFFFFF000  }
0x1b: {  	[hbm4b:s14+s31] =	stream.linear.scatter [tilespmem:s15], [sflag:$0x3], $0x1000, $0x38;
	[tilespmem:$0x4000] =	vst v63  }
.LBB2_5:
0x1c: {  	s15 =	sadd.s32 $0x20000, s11  }
0x1d: {  	p2 =	sgt.s32 s15, $0x3FFFF  }
0x1e: {  	s15 =	smov.u32 @p2 s2;
	p2 =	sne.s32 s12, s9  }
.Ltmp1:
0x1f: {  	p1 =	slt.u32 s12, $0x2;
	(pc) =	sbr.rel @!p2 .LBB2_6-.Ltmp1, $4  }
0x20: {  	s14 =	simm.s32 @!p1 $0x3  }
0x21: {  	s16 =	sadd.s32 $0x1, s12;
	_ =	swait.ge @!p1 [sflag:s14], $0x1000  }
0x22: {  	s13 =	smov.u32 s11;
	p0 =	por !p0, !p0;
	[sflag:s14] =	ssyncset.done @!p1 $0x0  }
0x23: {  	s12 =	smov.u32 s16;
	s11 =	smov.u32 s15;
	[sflag:s14] =	ssyncadd.s32 @!p1 $0xFFFFF000  }
.LBB2_1:
0x24: {  	p1 =	sge.u32 s12, s8  }
0x25: {  	s14 =	sxor.u32 @!p1 $0xFFFFFFFF, s12  }
0x26: {  	s31 =	sadd.s32 $0xFFFFFFFF, s12;
	s15 =	sshrl.u32 @!p1 s11, $0x3;
	s14 =	sshll.u32 @!p1 s14, $0xC  }
0x27: {  	s16 =	sand.u32 @!p1 $0x7, s11;
	s15 =	sadd.s32 @!p1 s4, s15;
	s14 =	sand.u32 @!p1 $0x1000, s14  }
0x28: {  	[tilespmem:s14], [sflag:$0x2] =	stream.linear.gather @!p1 [hbm4b:s15+s16], $0x1000, $0x38;
	[tilespmem:$0x4000] =	vst v63  }
0x29: {  	p1 =	sge.u32 s31, s8  }
.Ltmp2:
0x2a: {  	_ = 	snop;
	(pc) =	sbr.rel @p1 .LBB2_5-.Ltmp2, $1  }
0x2b: {  	_ =	sdelay $0x3  }
0x2c: {  	s14 =	simm.s32 $0x1  }
0x2d: {  	_ =	swait.ge [sflag:s7], $0x1000;
	s14 =	simm.s32 @!p0 $0x0  }
0x2e: {  	[sflag:s7] =	ssyncset.done $0x0;
	s14 =	sshll.u32 s14, $0xC  }
0x2f: {  	[sflag:s7] =	ssyncadd.s32 $0xFFFFF000;
	(ifvalue) =	ssetifvalue $0x7FFFFFFF;
	v0 =	vld.msk [tilespmem:s14+$0x0 ss:$0x1], $0xffff;
	_ =	sdelay $0x4  }
0x30: {  	s15 =	sadd.s32 $0x10, s14;
	vm1 =	veq.s32 v0, $0x80000000;
	v1 =	vshrl.u32 v0, $0x2;
	v2 =	vshrl.u32 v0, $0xC  }
0x31: {  	v3 =	vld.msk [tilespmem:s15+$0x0 ss:$0x1], $0xffff;
	v0 =	vshll.u32 v0, $0x10;
	v1 =	vand.u32 $0x3FF, v1;
	v2 =	vand.u32 $0x3F, v2  }
0x32: {  	v0 =	vand.u32 $0x30000, v0;
	v1 =	vsel vm1, $0xFFFFFFFF, v1;
	v2 =	vsel vm1, $0xFFFFFFFF, v2  }
0x33: {  	v0 =	vsel vm1, $0xFFFF0000, v0;
	v4 =	vand.u32 $0x7F, v1;
	v5 =	vshll.u32 v2, $0xA  }
0x34: {  	v1 =	vshll.u32 v1, $0x3;
	v5 =	vand.u32 $0xFFFFE000, v5;
	v0 =	vor.u32 v0, v4  }
0x35: {  	v2 =	vshll.u32 v2, $0x7;
	v1 =	vand.u32 $0xFFFFFC00, v1;
	v0 =	vadd.s32 v5, v0  }
0x36: {  	v62 =	vshrl.u32 v3, $0xC;
	v2 =	vand.u32 $0x380, v2;
	v0 =	vadd.s32 v1, v0  }
0x37: {  	s17 =	sadd.s32 $0x10, s15;
	vm1 =	veq.s32 v3, $0x80000000;
	v1 =	vor.u32 v2, v0;
	v2 =	vshrl.u32 v3, $0x2  }
0x38: {  	v4 =	vand.u32 $0x3F, v62;
	v0 =	vld.msk [tilespmem:s17+$0x0 ss:$0x1], $0xffff;
	v3 =	vshll.u32 v3, $0x10;
	v2 =	vand.u32 $0x3FF, v2  }
0x39: {  	v4 =	vsel vm1, $0xFFFFFFFF, v4;
	v3 =	vand.u32 $0x30000, v3;
	v2 =	vsel vm1, $0xFFFFFFFF, v2  }
0x3a: {  	s31 =	sshll.u32 s12, $0xC;
	v6 =	vshll.u32 v4, $0xA;
	v3 =	vsel vm1, $0xFFFF0000, v3;
	v63 =	vand.u32 $0x7F, v2  }
0x3b: {  	s14 =	sor.u32 $0x2000, s14;
	s15 =	sand.u32 $0x1000, s31;
	(ifvalue) =	ssetifvalue $0x7FFFFFFF;
	v6 =	vand.u32 $0xFFFFE000, v6;
	v2 =	vshll.u32 v2, $0x3;
	v3 =	vor.u32 v3, v63  }
0x3c: {  	v2 =	vand.u32 $0xFFFFFC00, v2;
	[tilespmem:s14], [sflag:$0x1] =	stream.indirect_vreg.gather [hbm4b:s3+s10], $0x1, v1, vm0, $0x4038;
	v1 =	vshll.u32 v4, $0x7;
	v3 =	vadd.s32 v6, v3;
	[tilespmem:$0x4000] =	vst v63  }
0x3d: {  	s16 =	simm.s32 $0x20;
	s15 =	sor.u32 $0x2000, s15;
	s17 =	sadd.s32 $0x10, s17;
	vm1 =	veq.s32 v0, $0x80000000;
	v1 =	vand.u32 $0x380, v1;
	v2 =	vadd.s32 v2, v3  }
.LBB2_3:
0x3e: {  	v3 =	vld.msk [tilespmem:s17+$0x0 ss:$0x1], $0xffff;
	v4 =	vshrl.u32 v0, $0x2;
	v5 =	vshrl.u32 v0, $0xC;
	v1 =	vor.u32 v1, v2;
	s16 =	sadd.s32 $0x10, s16  }
0x3f: {  	v0 =	vshll.u32 v0, $0x10;
	v2 =	vand.u32 $0x3FF, v4;
	v4 =	vand.u32 $0x3F, v5;
	p1 =	slt.u32 s16, $0xFF0  }
.Ltmp3:
0x40: {  	v0 =	vand.u32 $0x30000, v0;
	v2 =	vsel vm1, $0xFFFFFFFF, v2;
	v4 =	vsel vm1, $0xFFFFFFFF, v4;
	(pc) =	sbr.rel @p1 .LBB2_3-.Ltmp3, $4  }
0x41: {  	v0 =	vsel vm1, $0xFFFF0000, v0;
	v5 =	vand.u32 $0x7F, v2;
	v6 =	vshll.u32 v4, $0xA  }
0x42: {  	s14 =	sadd.s32 $0x10, s14;
	v2 =	vshll.u32 v2, $0x3;
	v6 =	vand.u32 $0xFFFFE000, v6;
	v7 =	vor.u32 v0, v5;
	(ifvalue) =	ssetifvalue $0x7FFFFFFF  }
0x43: {  	v4 =	vshll.u32 v4, $0x7;
	v2 =	vand.u32 $0xFFFFFC00, v2;
	v5 =	vadd.s32 v6, v7;
	[tilespmem:s14], [sflag:$0x1] =	stream.indirect_vreg.gather [hbm4b:s3+s10], $0x1, v1, vm0, $0x4038;
	[tilespmem:$0x4000] =	vst v63  }
0x44: {  	s17 =	sadd.s32 $0x10, s17;
	vm1 =	veq.s32 v3, $0x80000000;
	v1 =	vand.u32 $0x380, v4;
	v0 =	vmovc v3;
	v2 =	vadd.s32 v2, v5  }
.Ltmp4:
0x45: {  	_ = 	snop;
	(pc) =	sbr.rel .LBB2_4-.Ltmp4, $1  }
0x46: {  	_ =	sdelay $0x3  }
.LBB2_6:
0x47: {  	_ =	sfence.sel $0x180000  }
0x48: {  	s2 =	simm.s32 $0x2;
	[bflag:$0x0] =	sbarrier.arrive $0xFFFF  }
0x49: {  	s30 =	simm.s32 $0x3;
	[sflag:s2] =	ssyncpa.u1 $0x1  }
0x4a: {  	s31 =	simm.s32 $0x1;
	[sflag:s30] =	ssyncpa.u1 $0x1  }
0x4b: {  	[sflag:s31] =	ssyncpa.u1 $0x1  }
0x4c: {  	p0 =	sne.s32 s1, $0x0;
	_ =	strace $0x90000050  }
0x4d: {  	s0 =	sadd.s32 @!p0 $0x100000, s0;
	[bflag:$0x2] =	sbarrier.arrive $0xFFFF  }
0x4e: {  	[sflag:s0] =	ssyncadd.tile.s32 @!p0 $0x1;
	_ =	shalt  }
.Lfunc_end2:
_tile_overlayer_lowered:
.L_overlay_start_2:
0x4f: {  	(tag) =	ssettag $0x2  }
0x50: {  	s0 =	rddreg [dreg:$0x0];
	s2 =	stileid.u32  }
0x51: {  	s1 =	rddreg [dreg:$0x1];
	p0 =	sne.s32 s2, $0x0  }
0x52: {  	s3 =	rddreg [dreg:$0x2];
	[bflag:$0x3] =	sbarrier.arrive $0xFFFF;
	s2 =	simm.s32 @!p0 $0x1C01  }
0x53: {  	[timem:s3], [sflag:s2] =	dma.local @!p0 [hbm:s0], s1  }
0x54: {  	s0 =	simm.s32 @!p0 $0x1  }
0x55: {  	_ =	swait.ge @!p0 [sflag:s0], s1  }
0x56: {  	s1 =	ssub.s32 @!p0 $0x0, s1;
	[sflag:s0] =	ssyncset.done @!p0 $0x0  }
0x57: {  	[sflag:s0] =	ssyncadd.s32 @!p0 s1  }
0x58: {  	[bflag:$0x3] =	sbarrier.arrive $0xFFFF  }
0x59: {  	_ =	shalt  }

// kernel: gather_offload_async_start
scs
__scs_entry_jumppad:
0x0: {  	(pc) =	sbr.rel $0x88, $3  }
0x1: {  	(tag) =	ssettag $0x0;
	lr =	simm.s32 $0x1  }
0x2: {  	[smem:$0x3F8E] =	sst lr;
	_ =	strace $0xD0000000  }
0x3: {  	_ = 	snop  }
0x4: {  	_ = 	snop  }
0x5: {  	_ = 	snop  }
0x6: {  	_ = 	snop  }
0x7: {  	_ = 	snop  }
__scs_overlays_trampoline_lowered:
0x8: {  	[smem:$0x3F9D] =	sst s0  }
0x9: {  	[smem:$0x3F9E] =	sst s1  }
0xa: {  	[smem:$0x3F9F] =	sst s2  }
0xb: {  	[smem:$0x3FA0] =	sst s3  }
0xc: {  	[smem:$0x3FA1] =	sst s4  }
0xd: {  	[smem:$0x3FA2] =	sst s5  }
0xe: {  	[smem:$0x3FA3] =	sst s6  }
0xf: {  	[smem:$0x3FA4] =	sst s7  }
0x10: {  	[smem:$0x3FA5] =	sst s8  }
0x11: {  	[smem:$0x3FA6] =	sst s9;
	s0 =	simm.s32 @!p0 $0x0  }
0x12: {  	s1 =	sld [smem:$0x3F8C];
	s0 =	simm.s32 @p0 $0x1  }
0x13: {  	[smem:$0x3FA7] =	sst s0;
	s0 =	simm.s32 @!p1 $0x0  }
0x14: {  	s2 =	sld [smem:$0x3F8B];
	s0 =	simm.s32 @p1 $0x1  }
0x15: {  	[smem:$0x3FA8] =	sst s0;
	s0 =	simm.s32 @!p2 $0x0  }
0x16: {  	s3 =	sld [smem:$0x3FDB];
	s0 =	simm.s32 @p2 $0x1  }
0x17: {  	s4 =	simm.s32 $0x1BF5;
	[smem:$0x3FAA] =	sst s0  }
0x18: {  	s0 =	sld [smem:$0x3F8D];
	_ =	swait.ge [sflag:s4], $0x0  }
0x19: {  	s7 =	sld [smem:$0x3F8E]  }
0x1a: {  	s8 =	sadd.s32 $0xFFFFE003, lr  }
0x1b: {  	s9 =	sadd.s32 $0xFFFFFEF7, lr;
	s5 =	simm.s32 $0xFFFFFFFF;
	p2 =	slt.u32 s8, $0xFFFFF086  }
0x1c: {  	p1 =	slt.u32 s9, $0xF7A;
	s5 =	simm.s32 @!p2 $0x0  }
0x1d: {  	s5 =	simm.s32 @p1 $0x1;
	p0 =	seq.s32 s7, s2  }
0x1e: {  	s7 =	smul.u32 @!p0 $0xF7A, s2;
	p2 =	seq.s32 @!p0 s5, $0x0  }
0x1f: {  	s9 =	smul.u32 $0xF7A, s1;
	s8 =	simm.s32 @!p0 $0x1BF5;
	p2 =	por !p2, p0  }
0x20: {  	[sflag:s8] =	ssyncset.s32 @!p0 $0xFFFFF086;
	s6 =	sadd.s32 @!p0 s3, s7;
	s7 =	simm.s32 @!p0 $0x108  }
0x21: {  	s3 =	sadd.s32 s3, s9;
	s6 =	sadd.s32 @!p0 $0x88, s6;
	s7 =	simm.s32 @p2 $0x1082  }
0x22: {  	[simem:s7], [sflag:s8] =	dma.local @!p0 [hbm:s6], $0xF7A  }
0x23: {  	s9 =	sor.u32 $0xD0000000, s2;
	s6 =	simm.s32 $0x108;
	_ =	swait.ge @!p0 [sflag:s8], $0x0  }
0x24: {  	s3 =	sadd.s32 $0x88, s3;
	s6 =	simm.s32 @!p1 $0x1082;
	[sflag:s4] =	ssyncset.s32 $0xFFFFF086  }
0x25: {  	[simem:s6], [sflag:s4] =	dma.local [hbm:s3], $0xF7A  }
0x26: {  	[smem:$0x3F8E] =	sst s1;
	(tag) =	ssettag s2;
	_ =	strace s9  }
0x27: {  	s1 =	sld [smem:$0x3F9E]  }
0x28: {  	s2 =	sld [smem:$0x3F9F]  }
0x29: {  	s4 =	sld [smem:$0x3FA1]  }
0x2a: {  	p0 =	seq.s32 s5, $0x0;
	s5 =	sld [smem:$0x3FA2]  }
0x2b: {  	s6 =	sld [smem:$0x3FA3]  }
0x2c: {  	s7 =	sld [smem:$0x3FA4]  }
0x2d: {  	s3 =	simm.s32 $0x108;
	s8 =	sld [smem:$0x3FA5]  }
0x2e: {  	s3 =	simm.s32 @!p0 $0x1082;
	s9 =	sld [smem:$0x3FA6]  }
0x2f: {  	lr =	sadd.s32 s0, s3;
	s0 =	sld [smem:$0x3F9D]  }
0x30: {  	s3 =	sld [smem:$0x3FA0]  }
0x31: {  	[smem:$0x3FA9] =	sst s10  }
0x32: {  	s10 =	sld [smem:$0x3FA7];
	_ =	sdelay $0x3  }
0x33: {  	p0 =	seq.s32 s10, $0x1;
	s10 =	sld [smem:$0x3FA9];
	_ =	sdelay $0x3  }
0x34: {  	[smem:$0x3FA9] =	sst s10  }
0x35: {  	s10 =	sld [smem:$0x3FA8];
	_ =	sdelay $0x3  }
0x36: {  	p1 =	seq.s32 s10, $0x1;
	s10 =	sld [smem:$0x3FA9];
	_ =	sdelay $0x3  }
0x37: {  	[smem:$0x3FA9] =	sst s10  }
0x38: {  	s10 =	sld [smem:$0x3FAA]  }
0x39: {  	_ = 	snop;
	(pc) =	sbr.ind lr, $3  }
0x3a: {  	_ = 	snop  }
0x3b: {  	_ = 	snop  }
0x3c: {  	p2 =	seq.s32 s10, $0x1;
	s10 =	sld [smem:$0x3FA9]  }
0x3d: {  	_ =	shalt  }
0x3e: {  	_ =	shalt  }
0x3f: {  	_ =	shalt  }
0x40: {  	_ =	shalt  }
0x41: {  	_ =	shalt  }
0x42: {  	_ =	shalt  }
0x43: {  	_ =	shalt  }
0x44: {  	_ =	shalt  }
0x45: {  	_ =	shalt  }
0x46: {  	_ =	shalt  }
0x47: {  	_ =	shalt  }
0x48: {  	_ =	shalt  }
0x49: {  	_ =	shalt  }
0x4a: {  	_ =	shalt  }
0x4b: {  	_ =	shalt  }
0x4c: {  	_ =	shalt  }
0x4d: {  	_ =	shalt  }
0x4e: {  	_ =	shalt  }
0x4f: {  	_ =	shalt  }
0x50: {  	_ =	shalt  }
0x51: {  	_ =	shalt  }
0x52: {  	_ =	shalt  }
0x53: {  	_ =	shalt  }
0x54: {  	_ =	shalt  }
0x55: {  	_ =	shalt  }
0x56: {  	_ =	shalt  }
0x57: {  	_ =	shalt  }
0x58: {  	_ =	shalt  }
0x59: {  	_ =	shalt  }
0x5a: {  	_ =	shalt  }
0x5b: {  	_ =	shalt  }
0x5c: {  	_ =	shalt  }
0x5d: {  	_ =	shalt  }
0x5e: {  	_ =	shalt  }
0x5f: {  	_ =	shalt  }
0x60: {  	_ =	shalt  }
0x61: {  	_ =	shalt  }
0x62: {  	_ =	shalt  }
0x63: {  	_ =	shalt  }
0x64: {  	_ =	shalt  }
0x65: {  	_ =	shalt  }
0x66: {  	_ =	shalt  }
0x67: {  	_ =	shalt  }
0x68: {  	_ =	shalt  }
0x69: {  	_ =	shalt  }
0x6a: {  	_ =	shalt  }
0x6b: {  	_ =	shalt  }
0x6c: {  	_ =	shalt  }
0x6d: {  	_ =	shalt  }
0x6e: {  	_ =	shalt  }
0x6f: {  	_ =	shalt  }
0x70: {  	_ =	shalt  }
0x71: {  	_ =	shalt  }
0x72: {  	_ =	shalt  }
0x73: {  	_ =	shalt  }
0x74: {  	_ =	shalt  }
0x75: {  	_ =	shalt  }
0x76: {  	_ =	shalt  }
0x77: {  	_ =	shalt  }
0x78: {  	_ =	shalt  }
0x79: {  	_ =	shalt  }
0x7a: {  	_ =	shalt  }
0x7b: {  	_ =	shalt  }
0x7c: {  	_ =	shalt  }
0x7d: {  	_ =	shalt  }
0x7e: {  	_ =	shalt  }
0x7f: {  	_ =	shalt  }
0x80: {  	_ =	shalt  }
0x81: {  	_ =	shalt  }
0x82: {  	_ =	shalt  }
0x83: {  	_ =	shalt  }
0x84: {  	_ =	shalt  }
0x85: {  	_ =	shalt  }
0x86: {  	_ =	shalt  }
0x87: {  	_ =	shalt  }
.Lfunc_end0:
.L_simem_size_0:
called_computation.2_lowered:
.L_overlay_start_0:
0x88: {  	s2 =	sld [smem:$0x3FD9]  }
0x89: {  	s3 =	sld [smem:$0x3FFE];
	_ =	sdelay $0x1  }
0x8a: {  	s1 =	srdreg.scid  }
0x8b: {  	s0 =	sand.u32 $0x1, s1  }
0x8c: {  	s14 =	sshll.u32 s0, $0xA;
	s2 =	sadd.s32 s3, s2  }
0x8d: {  	s2 =	sadd.s32 s2, s14  }
0x8e: {  	[smem:$0x3FB5] =	sst s2  }
0x8f: {  	_ = 	snop  }
0x90: {  	s2 =	sld [smem:$0x3FD0];
	_ =	sdelay $0x2  }
0x91: {  	s15 =	simm.s32 $0xB;
	s4 =	simm.s32 $0x10  }
0x92: {  	[smem:s4], [sflag:s15] =	dma.local [hbm:s2], $0x1  }
0x93: {  	_ =	swait.eq [sflag:s15], $0x1  }
0x94: {  	[sflag:s15] =	ssyncset.done $0x0  }
0x95: {  	[sflag:s15] =	ssyncadd.s32 $0xFFFFFFFF  }
0x96: {  	s16 =	sld [smem:$0x10];
	(tm) =	ssettm $0x1  }
0x97: {  	s17 =	sld [smem:$0x3FFB];
	_ =	sdelay $0x3  }
0x98: {  	_ =	strace s17  }
0x99: {  	s3 =	sld [smem:$0x3FFC];
	_ =	sdelay $0x3  }
0x9a: {  	_ =	strace s3  }
0x9b: {  	s3 =	sld [smem:$0x3FFD];
	_ =	sdelay $0x3  }
0x9c: {  	_ =	strace s3  }
0x9d: {  	_ =	strace $0x8FFFFFFF  }
0x9e: {  	s18 =	sld [smem:$0x3FDB];
	_ =	sdelay $0x1  }
0x9f: {  	s19 =	simm.s32 $_scs_section_size  }
0xa0: {  	s5 =	simm.s32 $_size__tile_overlayer_lowered;
	s6 =	simm.s32 $_tile_overlayer_lowered  }
0xa1: {  	s22 =	simm.s32 $0x1BFF;
	s21 =	sshll.u32 s6, $0x1;
	s3 =	sadd.s32 s19, s18  }
0xa2: {  	s7 =	simm.s32 $0x0;
	s20 =	sshll.u32 s5, $0x1;
	s5 =	sadd.s32 s21, s3  }
0xa3: {  	[timem:s7], [sflag:s22] =	dma.local [hbm:s5], s20  }
0xa4: {  	_ =	swait.ge [sflag:s22], s20  }
0xa5: {  	s4 =	ssub.s32 $0x0, s20;
	[sflag:s22] =	ssyncset.done $0x0  }
0xa6: {  	[sflag:s22] =	ssyncadd.s32 s4;
	_ =	sdelay $0x1  }
0xa7: {  	s23 =	simm.s32 $0x1B8B  }
0xa8: {  	_ =	swait.ge [sflag:s23], $0x1  }
0xa9: {  	[sflag:s23] =	ssyncset.done $0x0  }
0xaa: {  	s25 =	simm.s32 $0x1B8E;
	s24 =	sld [smem:$0x3FFE];
	[sflag:s23] =	ssyncadd.s32 $0xFFFFFFFF  }
0xab: {  	s26 =	simm.s32 $execute0_lowered;
	[smem:$0x3FD2] =	sst s25  }
0xac: {  	s5 =	sshll.u32 s26, $0x1;
	_ =	strace $0x8000004C;
	[dreg:$0x1] =	wrdreg $0xFFFFFFFF  }
0xad: {  	s28 =	simm.s32 $_size_execute0_lowered;
	s3 =	sadd.s32 s3, s5;
	[dreg:$0x0] =	wrdreg $0x0  }
0xae: {  	s5 =	sshll.u32 s28, $0x1;
	[dreg:$0x2] =	wrdreg s3  }
0xaf: {  	[dreg:$0x3] =	wrdreg s5  }
0xb0: {  	[dreg:$0x4] =	wrdreg $0xC0  }
0xb1: {  	_ =	task [dreg:s7], $0x5FFFF  }
0xb2: {  	[dreg:$0x1] =	wrdreg $0xFFFFFFFF  }
0xb3: {  	[dreg:$0x0] =	wrdreg $0x60  }
0xb4: {  	[dreg:$0x2] =	wrdreg s24  }
0xb5: {  	[dreg:$0x3] =	wrdreg s16  }
0xb6: {  	[dreg:$0x4] =	wrdreg $0x9  }
0xb7: {  	_ =	task.clear_ibuf [dreg:s7], $0x5FFFF;
	_ =	strace $0x9000004C  }
0xb8: {  	s29 =	simm.s32 $0x9;
	_ =	strace $0x8000004E  }
0xb9: {  	_ =	swait.ge [sflag:s29], $0x1  }
0xba: {  	[sflag:s29] =	ssyncadd.s32 $0xFFFFFFFF  }
0xbb: {  	_ =	strace $0x9000004E  }
0xbc: {  	_ =	sfence  }
0xbd: {  	s30 =	sld [smem:$0x0];
	_ =	sdelay $0x2  }
0xbe: {  	s31 =	sshll.u32 s1, $0xD;
	s1 =	sshrl.u32 s1, $0x2  }
0xbf: {  	s3 =	sand.u32 $0x4000, s31;
	s1 =	sadd.s32 s1, s30  }
0xc0: {  	s0 =	sor.u32 s3, s0;
	s1 =	sshll.u32 s1, $0x11  }
0xc1: {  	s0 =	sor.u32 s1, s0  }
0xc2: {  	s0 =	sadd.s32 $0x8F2B, s0  }
0xc3: {  	[sflag:s0] =	ssyncadd.remote.s32 $0x1  }
0xc4: {  	_ =	sfence.sel $0xFFFF  }
0xc5: {  	[dreg:$0x0] =	wrdreg $0xFFFFFFFF;
	(pc) =	sbr.abs _section_cstart, $3  }
0xc6: {  	[dreg:$0x1] =	wrdreg $0xFFFFFFFF  }
0xc7: {  	_ =	task.clear_ibuf [dreg:s7], $0x2FFFF;
	_ =	strace $0x9FFFFFFF  }
0xc8: {  	(tm) =	ssettm $0x7FFFFFFF  }
0xc9: {  	_ =	shalt  }
tec
execute0_lowered:
.L_overlay_start_1:
0x0: {  	(tag) =	ssettag $0x1  }
0x1: {  	s1 =	srdreg.scid;
	s5 =	rddreg [dreg:$0x0]  }
0x2: {  	s0 =	stileid.u32;
	s2 =	rddreg [dreg:$0x1];
	s6 =	simm.s32 $0x1  }
0x3: {  	s9 =	simm.s32 $0x1;
	s10 =	simm.s32 $0x3;
	s1 =	sshll.u32 s1, $0x8  }
0x4: {  	s13 =	simm.s32 $0x0;
	s3 =	sshll.u32 s0, $0x9;
	s4 =	sand.u32 $0x100, s1  }
0x5: {  	s12 =	simm.s32 $0x0;
	s1 =	rddreg [dreg:$0x2];
	s3 =	sor.u32 s3, s4  }
0x6: {  	_ =	strace $0x8000004D;
	s4 =	sadd.s32 $0x8A0000, s5;
	s8 =	ssub.s32 $0x3000, s3  }
.Ltmp0:
0x7: {  	s5 =	sadd.s32 $0x18800, s5;
	s7 =	sand.u32 $0x1F00, s8;
	(pc) =	sbr.rel .LBB2_1-.Ltmp0, $4  }
0x8: {  	[sflag:s6] =	ssyncpa.u1 $0x0;
	s11 =	smov.u32 s3;
	p0 =	sne.s32 s7, $0x0  }
0x9: {  	s8 =	sshrl.u32 s8, $0xD;
	s7 =	simm.s32 $0x2;
	s9 =	simm.s32 @!p0 $0x0  }
0xa: {  	[sflag:s7] =	ssyncpa.u1 $0x0;
	p0 =	por $0x0, $0x0;
	s8 =	sadd.s32 s9, s8  }
0xb: {  	vm0 =	vmmov $0xffff;
	[sflag:s10] =	ssyncpa.u1 $0x0;
	s10 =	simm.s32 $0x0;
	s9 =	sadd.s32 $0x1, s8  }
.LBB2_4:
0xc: {  	v6 =	vshrl.u32 v1, $0xC  }
0xd: {  	v4 =	vadd.s32 v5, v4;
	v3 =	vand.u32 $0x380, v3;
	v56 =	vshll.u32 v1, $0x17  }
0xe: {  	v57 =	vshll.u32 v1, $0xB;
	v58 =	vshrl.u32 v1, $0x7;
	v3 =	vor.u32 v3, v4  }
0xf: {  	v5 =	vand.u32 $0x1800000, v56;
	v4 =	vand.u32 $0x7FE000, v57;
	v1 =	vand.u32 $0x1F80, v58  }
0x10: {  	v6 =	vand.u32 $0x3, v6;
	v4 =	vor.u32 v4, v5;
	v1 =	vsel vm1, $0xFFFFFF80, v1  }
0x11: {  	v59 =	vsel vm1, $0xFFFFFFFF, v6;
	v4 =	vsel vm1, $0xFF7FE000, v4;
	v60 =	vand.u32 $0xFFFFFC00, v1  }
0x12: {  	v2 =	vand.u32 $0x7F, v2;
	v61 =	vand.u32 $0xFFFFFC00, v59;
	v4 =	vadd.s32 v60, v4  }
0x13: {  	v2 =	vor.u32 v2, v3;
	v1 =	vand.u32 $0x380, v1;
	v62 =	vadd.s32 v61, v4  }
0x14: {  	v63 =	vand.u32 $0x7F, v59;
	v1 =	vor.u32 v1, v62  }
0x15: {  	v1 =	vor.u32 v63, v1  }
0x16: {  	[tilespmem:s15], [sflag:$0x1] =	stream.indirect_vreg.gather [hbm4b:s4+s10], $0x1, v0, vm0, $0x4038;
	[tilespmem:$0x400] =	vst v63  }
0x17: {  	(ifvalue) =	ssetifvalue $0x7FFFFFFF;
	s29 =	sadd.s32 $0x10, s15  }
0x18: {  	[tilespmem:s29], [sflag:$0x1] =	stream.indirect_vreg.gather [hbm4b:s4+s10], $0x1, v2, vm0, $0x4038;
	[tilespmem:$0x400] =	vst v63  }
0x19: {  	s15 =	sadd.s32 $0x10, s29;
	(ifvalue) =	ssetifvalue $0x7FFFFFFF  }
0x1a: {  	[tilespmem:s15], [sflag:$0x1] =	stream.indirect_vreg.gather [hbm4b:s4+s10], $0x1, v1, vm0, $0x4038;
	[tilespmem:$0x400] =	vst v63  }
0x1b: {  	_ =	swait.ge [sflag:s6], $0x100  }
0x1c: {  	s30 =	sshrl.u32 s13, $0x3;
	[sflag:s6] =	ssyncset.done $0x0  }
0x1d: {  	s31 =	sand.u32 $0x7, s13;
	s15 =	sadd.s32 s5, s30;
	[sflag:s6] =	ssyncadd.s32 $0xFFFFFF00  }
0x1e: {  	[hbm4b:s15+s31] =	stream.linear.scatter [tilespmem:s14], [sflag:$0x3], $0x100, $0x38;
	[tilespmem:$0x400] =	vst v63  }
.LBB2_5:
0x1f: {  	s15 =	sadd.s32 $0x2000, s11  }
0x20: {  	p2 =	sgt.s32 s15, $0x2FFF  }
0x21: {  	s15 =	smov.u32 @p2 s3;
	p2 =	sne.s32 s12, s9  }
.Ltmp1:
0x22: {  	p1 =	slt.u32 s12, $0x2;
	(pc) =	sbr.rel @!p2 .LBB2_6-.Ltmp1, $4  }
0x23: {  	s14 =	simm.s32 @!p1 $0x3  }
0x24: {  	s16 =	sadd.s32 $0x1, s12;
	_ =	swait.ge @!p1 [sflag:s14], $0x100  }
0x25: {  	s13 =	smov.u32 s11;
	p0 =	por !p0, !p0;
	[sflag:s14] =	ssyncset.done @!p1 $0x0  }
0x26: {  	s12 =	smov.u32 s16;
	s11 =	smov.u32 s15;
	[sflag:s14] =	ssyncadd.s32 @!p1 $0xFFFFFF00  }
.LBB2_1:
0x27: {  	p1 =	sge.u32 s12, s8  }
0x28: {  	s14 =	sxor.u32 @!p1 $0xFFFFFFFF, s12  }
0x29: {  	s31 =	sadd.s32 $0xFFFFFFFF, s12;
	s15 =	sshrl.u32 @!p1 s11, $0x3;
	s14 =	sshll.u32 @!p1 s14, $0x8  }
0x2a: {  	s16 =	sand.u32 @!p1 $0x7, s11;
	s15 =	sadd.s32 @!p1 s2, s15;
	s14 =	sand.u32 @!p1 $0x100, s14  }
0x2b: {  	[tilespmem:s14], [sflag:$0x2] =	stream.linear.gather @!p1 [hbm4b:s15+s16], $0x100, $0x38;
	[tilespmem:$0x400] =	vst v63  }
0x2c: {  	p1 =	sge.u32 s31, s8  }
.Ltmp2:
0x2d: {  	_ = 	snop;
	(pc) =	sbr.rel @p1 .LBB2_5-.Ltmp2, $1  }
0x2e: {  	_ =	sdelay $0x3  }
0x2f: {  	s14 =	simm.s32 $0x1  }
0x30: {  	_ =	swait.ge [sflag:s7], $0x100;
	s14 =	simm.s32 @!p0 $0x0  }
0x31: {  	[sflag:s7] =	ssyncset.done $0x0;
	s14 =	sshll.u32 s14, $0x8  }
0x32: {  	[sflag:s7] =	ssyncadd.s32 $0xFFFFFF00;
	(ifvalue) =	ssetifvalue $0x7FFFFFFF;
	v0 =	vld.msk [tilespmem:s14+$0x0 ss:$0x1], $0xffff;
	_ =	sdelay $0x3  }
0x33: {  	s15 =	sadd.s32 $0x10, s14  }
0x34: {  	v2 =	vld.msk [tilespmem:s15+$0x0 ss:$0x1], $0xffff;
	vm1 =	veq.s32 v0, $0x80000000;
	v1 =	vshrl.u32 v0, $0xC  }
0x35: {  	v3 =	vshll.u32 v0, $0x17;
	v4 =	vshll.u32 v0, $0xB;
	v0 =	vshrl.u32 v0, $0x7  }
0x36: {  	v3 =	vand.u32 $0x1800000, v3;
	v4 =	vand.u32 $0x7FE000, v4;
	v0 =	vand.u32 $0x1F80, v0  }
0x37: {  	v1 =	vand.u32 $0x3, v1;
	v3 =	vor.u32 v4, v3;
	v0 =	vsel vm1, $0xFFFFFF80, v0  }
0x38: {  	v4 =	vsel vm1, $0xFFFFFFFF, v1;
	v1 =	vsel vm1, $0xFF7FE000, v3;
	v3 =	vand.u32 $0xFFFFFC00, v0  }
0x39: {  	v5 =	vshrl.u32 v2, $0xC;
	v1 =	vadd.s32 v3, v1;
	v3 =	vand.u32 $0xFFFFFC00, v4  }
0x3a: {  	s17 =	sadd.s32 $0x10, s15;
	v6 =	vshll.u32 v2, $0x17;
	v0 =	vand.u32 $0x380, v0;
	v3 =	vadd.s32 v3, v1  }
0x3b: {  	vm1 =	veq.s32 v2, $0x80000000;
	v4 =	vand.u32 $0x7F, v4;
	v1 =	vld.msk [tilespmem:s17+$0x0 ss:$0x1], $0xffff;
	v0 =	vor.u32 v0, v3  }
0x3c: {  	v3 =	vshll.u32 v2, $0xB;
	v2 =	vshrl.u32 v2, $0x7;
	v0 =	vor.u32 v4, v0  }
0x3d: {  	s31 =	sshll.u32 s12, $0x8;
	v4 =	vand.u32 $0x1800000, v6;
	v3 =	vand.u32 $0x7FE000, v3;
	v2 =	vand.u32 $0x1F80, v2  }
0x3e: {  	s16 =	sand.u32 $0x100, s31;
	v5 =	vand.u32 $0x3, v5;
	v4 =	vor.u32 v3, v4;
	v3 =	vsel vm1, $0xFFFFFF80, v2  }
0x3f: {  	s15 =	sor.u32 $0x200, s14;
	s14 =	sor.u32 $0x200, s16;
	v2 =	vsel vm1, $0xFFFFFFFF, v5;
	v4 =	vsel vm1, $0xFF7FE000, v4;
	v5 =	vand.u32 $0xFFFFFC00, v3  }
0x40: {  	s16 =	simm.s32 $0x20;
	s17 =	sadd.s32 $0x10, s17;
	(ifvalue) =	ssetifvalue $0x7FFFFFFF;
	vm1 =	veq.s32 v1, $0x80000000;
	v4 =	vadd.s32 v5, v4;
	v5 =	vand.u32 $0xFFFFFC00, v2  }
.LBB2_3:
0x41: {  	v6 =	vld.msk [tilespmem:s17+$0x0 ss:$0x1], $0xffff;
	[tilespmem:s15], [sflag:$0x1] =	stream.indirect_vreg.gather [hbm4b:s4+s10], $0x1, v0, vm0, $0x4038  }
0x42: {  	v7 =	vshrl.u32 v1, $0xC;
	v4 =	vadd.s32 v5, v4;
	v3 =	vand.u32 $0x380, v3;
	s16 =	sadd.s32 $0x10, s16  }
0x43: {  	v5 =	vshll.u32 v1, $0x17;
	v0 =	vand.u32 $0x7F, v2;
	v2 =	vor.u32 v3, v4;
	p1 =	slt.u32 s16, $0xF0  }
.Ltmp3:
0x44: {  	v3 =	vshll.u32 v1, $0xB;
	v1 =	vshrl.u32 v1, $0x7;
	v0 =	vor.u32 v0, v2;
	(pc) =	sbr.rel @p1 .LBB2_3-.Ltmp3, $4  }
0x45: {  	v2 =	vand.u32 $0x1800000, v5;
	v3 =	vand.u32 $0x7FE000, v3;
	v1 =	vand.u32 $0x1F80, v1  }
0x46: {  	v4 =	vand.u32 $0x3, v7;
	v5 =	vor.u32 v3, v2;
	v3 =	vsel vm1, $0xFFFFFF80, v1  }
0x47: {  	v2 =	vsel vm1, $0xFFFFFFFF, v4;
	v7 =	vsel vm1, $0xFF7FE000, v5;
	v4 =	vand.u32 $0xFFFFFC00, v3  }
0x48: {  	s17 =	sadd.s32 $0x10, s17;
	s15 =	sadd.s32 $0x10, s15;
	v5 =	vand.u32 $0xFFFFFC00, v2;
	vm1 =	veq.s32 v6, $0x80000000;
	v4 =	vadd.s32 v4, v7;
	v1 =	vmovc v6;
	(ifvalue) =	ssetifvalue $0x7FFFFFFF  }
.Ltmp4:
0x49: {  	_ = 	snop;
	(pc) =	sbr.rel .LBB2_4-.Ltmp4, $1  }
0x4a: {  	_ =	sdelay $0x3  }
.LBB2_6:
0x4b: {  	_ =	sfence.sel $0x180000  }
0x4c: {  	s2 =	simm.s32 $0x2;
	[bflag:$0x0] =	sbarrier.arrive $0xFFFF  }
0x4d: {  	s30 =	simm.s32 $0x3;
	[sflag:s2] =	ssyncpa.u1 $0x1  }
0x4e: {  	s31 =	simm.s32 $0x1;
	[sflag:s30] =	ssyncpa.u1 $0x1  }
0x4f: {  	[sflag:s31] =	ssyncpa.u1 $0x1  }
0x50: {  	p0 =	sne.s32 s0, $0x0;
	_ =	strace $0x9000004D  }
0x51: {  	s0 =	sadd.s32 @!p0 $0x100000, s1;
	[bflag:$0x2] =	sbarrier.arrive $0xFFFF  }
0x52: {  	[sflag:s0] =	ssyncadd.tile.s32 @!p0 $0x1;
	_ =	shalt  }
.Lfunc_end2:
_tile_overlayer_lowered:
.L_overlay_start_2:
0x53: {  	(tag) =	ssettag $0x2  }
0x54: {  	s0 =	rddreg [dreg:$0x0];
	s2 =	stileid.u32  }
0x55: {  	s1 =	rddreg [dreg:$0x1];
	p0 =	sne.s32 s2, $0x0  }
0x56: {  	s3 =	rddreg [dreg:$0x2];
	[bflag:$0x3] =	sbarrier.arrive $0xFFFF;
	s2 =	simm.s32 @!p0 $0x1C01  }
0x57: {  	[timem:s3], [sflag:s2] =	dma.local @!p0 [hbm:s0], s1  }
0x58: {  	s0 =	simm.s32 @!p0 $0x1  }
0x59: {  	_ =	swait.ge @!p0 [sflag:s0], s1  }
0x5a: {  	s1 =	ssub.s32 @!p0 $0x0, s1;
	[sflag:s0] =	ssyncset.done @!p0 $0x0  }
0x5b: {  	[sflag:s0] =	ssyncadd.s32 @!p0 s1  }
0x5c: {  	[bflag:$0x3] =	sbarrier.arrive $0xFFFF  }
0x5d: {  	_ =	shalt  }

// kernel: kernel.10.cloned.1.call-start
scs
__scs_entry_jumppad:
0x0: {  	(pc) =	sbr.rel $0x88, $3  }
0x1: {  	(tag) =	ssettag $0x0;
	lr =	simm.s32 $0x1  }
0x2: {  	[smem:$0x3F8E] =	sst lr;
	_ =	strace $0xD0000000  }
0x3: {  	_ = 	snop  }
0x4: {  	_ = 	snop  }
0x5: {  	_ = 	snop  }
0x6: {  	_ = 	snop  }
0x7: {  	_ = 	snop  }
__scs_overlays_trampoline_lowered:
0x8: {  	[smem:$0x3F9D] =	sst s0  }
0x9: {  	[smem:$0x3F9E] =	sst s1  }
0xa: {  	[smem:$0x3F9F] =	sst s2  }
0xb: {  	[smem:$0x3FA0] =	sst s3  }
0xc: {  	[smem:$0x3FA1] =	sst s4  }
0xd: {  	[smem:$0x3FA2] =	sst s5  }
0xe: {  	[smem:$0x3FA3] =	sst s6  }
0xf: {  	[smem:$0x3FA4] =	sst s7  }
0x10: {  	[smem:$0x3FA5] =	sst s8  }
0x11: {  	[smem:$0x3FA6] =	sst s9;
	s0 =	simm.s32 @!p0 $0x0  }
0x12: {  	s1 =	sld [smem:$0x3F8C];
	s0 =	simm.s32 @p0 $0x1  }
0x13: {  	[smem:$0x3FA7] =	sst s0;
	s0 =	simm.s32 @!p1 $0x0  }
0x14: {  	s2 =	sld [smem:$0x3F8B];
	s0 =	simm.s32 @p1 $0x1  }
0x15: {  	[smem:$0x3FA8] =	sst s0;
	s0 =	simm.s32 @!p2 $0x0  }
0x16: {  	s3 =	sld [smem:$0x3FDB];
	s0 =	simm.s32 @p2 $0x1  }
0x17: {  	s4 =	simm.s32 $0x1BF5;
	[smem:$0x3FAA] =	sst s0  }
0x18: {  	s0 =	sld [smem:$0x3F8D];
	_ =	swait.ge [sflag:s4], $0x0  }
0x19: {  	s7 =	sld [smem:$0x3F8E]  }
0x1a: {  	s8 =	sadd.s32 $0xFFFFE003, lr  }
0x1b: {  	s9 =	sadd.s32 $0xFFFFFEF7, lr;
	s5 =	simm.s32 $0xFFFFFFFF;
	p2 =	slt.u32 s8, $0xFFFFF086  }
0x1c: {  	p1 =	slt.u32 s9, $0xF7A;
	s5 =	simm.s32 @!p2 $0x0  }
0x1d: {  	s5 =	simm.s32 @p1 $0x1;
	p0 =	seq.s32 s7, s2  }
0x1e: {  	s7 =	smul.u32 @!p0 $0xF7A, s2;
	p2 =	seq.s32 @!p0 s5, $0x0  }
0x1f: {  	s9 =	smul.u32 $0xF7A, s1;
	s8 =	simm.s32 @!p0 $0x1BF5;
	p2 =	por !p2, p0  }
0x20: {  	[sflag:s8] =	ssyncset.s32 @!p0 $0xFFFFF086;
	s6 =	sadd.s32 @!p0 s3, s7;
	s7 =	simm.s32 @!p0 $0x108  }
0x21: {  	s3 =	sadd.s32 s3, s9;
	s6 =	sadd.s32 @!p0 $0x88, s6;
	s7 =	simm.s32 @p2 $0x1082  }
0x22: {  	[simem:s7], [sflag:s8] =	dma.local @!p0 [hbm:s6], $0xF7A  }
0x23: {  	s9 =	sor.u32 $0xD0000000, s2;
	s6 =	simm.s32 $0x108;
	_ =	swait.ge @!p0 [sflag:s8], $0x0  }
0x24: {  	s3 =	sadd.s32 $0x88, s3;
	s6 =	simm.s32 @!p1 $0x1082;
	[sflag:s4] =	ssyncset.s32 $0xFFFFF086  }
0x25: {  	[simem:s6], [sflag:s4] =	dma.local [hbm:s3], $0xF7A  }
0x26: {  	[smem:$0x3F8E] =	sst s1;
	(tag) =	ssettag s2;
	_ =	strace s9  }
0x27: {  	s1 =	sld [smem:$0x3F9E]  }
0x28: {  	s2 =	sld [smem:$0x3F9F]  }
0x29: {  	s4 =	sld [smem:$0x3FA1]  }
0x2a: {  	p0 =	seq.s32 s5, $0x0;
	s5 =	sld [smem:$0x3FA2]  }
0x2b: {  	s6 =	sld [smem:$0x3FA3]  }
0x2c: {  	s7 =	sld [smem:$0x3FA4]  }
0x2d: {  	s3 =	simm.s32 $0x108;
	s8 =	sld [smem:$0x3FA5]  }
0x2e: {  	s3 =	simm.s32 @!p0 $0x1082;
	s9 =	sld [smem:$0x3FA6]  }
0x2f: {  	lr =	sadd.s32 s0, s3;
	s0 =	sld [smem:$0x3F9D]  }
0x30: {  	s3 =	sld [smem:$0x3FA0]  }
0x31: {  	[smem:$0x3FA9] =	sst s10  }
0x32: {  	s10 =	sld [smem:$0x3FA7];
	_ =	sdelay $0x3  }
0x33: {  	p0 =	seq.s32 s10, $0x1;
	s10 =	sld [smem:$0x3FA9];
	_ =	sdelay $0x3  }
0x34: {  	[smem:$0x3FA9] =	sst s10  }
0x35: {  	s10 =	sld [smem:$0x3FA8];
	_ =	sdelay $0x3  }
0x36: {  	p1 =	seq.s32 s10, $0x1;
	s10 =	sld [smem:$0x3FA9];
	_ =	sdelay $0x3  }
0x37: {  	[smem:$0x3FA9] =	sst s10  }
0x38: {  	s10 =	sld [smem:$0x3FAA]  }
0x39: {  	_ = 	snop;
	(pc) =	sbr.ind lr, $3  }
0x3a: {  	_ = 	snop  }
0x3b: {  	_ = 	snop  }
0x3c: {  	p2 =	seq.s32 s10, $0x1;
	s10 =	sld [smem:$0x3FA9]  }
0x3d: {  	_ =	shalt  }
0x3e: {  	_ =	shalt  }
0x3f: {  	_ =	shalt  }
0x40: {  	_ =	shalt  }
0x41: {  	_ =	shalt  }
0x42: {  	_ =	shalt  }
0x43: {  	_ =	shalt  }
0x44: {  	_ =	shalt  }
0x45: {  	_ =	shalt  }
0x46: {  	_ =	shalt  }
0x47: {  	_ =	shalt  }
0x48: {  	_ =	shalt  }
0x49: {  	_ =	shalt  }
0x4a: {  	_ =	shalt  }
0x4b: {  	_ =	shalt  }
0x4c: {  	_ =	shalt  }
0x4d: {  	_ =	shalt  }
0x4e: {  	_ =	shalt  }
0x4f: {  	_ =	shalt  }
0x50: {  	_ =	shalt  }
0x51: {  	_ =	shalt  }
0x52: {  	_ =	shalt  }
0x53: {  	_ =	shalt  }
0x54: {  	_ =	shalt  }
0x55: {  	_ =	shalt  }
0x56: {  	_ =	shalt  }
0x57: {  	_ =	shalt  }
0x58: {  	_ =	shalt  }
0x59: {  	_ =	shalt  }
0x5a: {  	_ =	shalt  }
0x5b: {  	_ =	shalt  }
0x5c: {  	_ =	shalt  }
0x5d: {  	_ =	shalt  }
0x5e: {  	_ =	shalt  }
0x5f: {  	_ =	shalt  }
0x60: {  	_ =	shalt  }
0x61: {  	_ =	shalt  }
0x62: {  	_ =	shalt  }
0x63: {  	_ =	shalt  }
0x64: {  	_ =	shalt  }
0x65: {  	_ =	shalt  }
0x66: {  	_ =	shalt  }
0x67: {  	_ =	shalt  }
0x68: {  	_ =	shalt  }
0x69: {  	_ =	shalt  }
0x6a: {  	_ =	shalt  }
0x6b: {  	_ =	shalt  }
0x6c: {  	_ =	shalt  }
0x6d: {  	_ =	shalt  }
0x6e: {  	_ =	shalt  }
0x6f: {  	_ =	shalt  }
0x70: {  	_ =	shalt  }
0x71: {  	_ =	shalt  }
0x72: {  	_ =	shalt  }
0x73: {  	_ =	shalt  }
0x74: {  	_ =	shalt  }
0x75: {  	_ =	shalt  }
0x76: {  	_ =	shalt  }
0x77: {  	_ =	shalt  }
0x78: {  	_ =	shalt  }
0x79: {  	_ =	shalt  }
0x7a: {  	_ =	shalt  }
0x7b: {  	_ =	shalt  }
0x7c: {  	_ =	shalt  }
0x7d: {  	_ =	shalt  }
0x7e: {  	_ =	shalt  }
0x7f: {  	_ =	shalt  }
0x80: {  	_ =	shalt  }
0x81: {  	_ =	shalt  }
0x82: {  	_ =	shalt  }
0x83: {  	_ =	shalt  }
0x84: {  	_ =	shalt  }
0x85: {  	_ =	shalt  }
0x86: {  	_ =	shalt  }
0x87: {  	_ =	shalt  }
.Lfunc_end0:
.L_simem_size_0:
called_computation.6_lowered:
.L_overlay_start_0:
0x88: {  	s2 =	sld [smem:$0x3FD9]  }
0x89: {  	s3 =	sld [smem:$0x3FFE];
	_ =	sdelay $0x1  }
0x8a: {  	s1 =	srdreg.scid  }
0x8b: {  	s0 =	sand.u32 $0x1, s1  }
0x8c: {  	s16 =	sshll.u32 s0, $0xA;
	s2 =	sadd.s32 s3, s2  }
0x8d: {  	s2 =	sadd.s32 s2, s16  }
0x8e: {  	[smem:$0x3FB5] =	sst s2  }
0x8f: {  	_ = 	snop  }
0x90: {  	(tm) =	ssettm $0x1  }
0x91: {  	s17 =	sld [smem:$0x3FFB];
	_ =	sdelay $0x3  }
0x92: {  	_ =	strace s17  }
0x93: {  	s2 =	sld [smem:$0x3FFC];
	_ =	sdelay $0x3  }
0x94: {  	_ =	strace s2  }
0x95: {  	s2 =	sld [smem:$0x3FFD];
	_ =	sdelay $0x3  }
0x96: {  	_ =	strace s2  }
0x97: {  	_ =	strace $0x8FFFFFFF  }
0x98: {  	s18 =	sld [smem:$0x3FDB];
	_ =	sdelay $0x1  }
0x99: {  	s19 =	simm.s32 $_scs_section_size  }
0x9a: {  	s4 =	simm.s32 $_size__tile_overlayer_lowered;
	s5 =	simm.s32 $_tile_overlayer_lowered  }
0x9b: {  	s22 =	simm.s32 $0x1BFF;
	s21 =	sshll.u32 s5, $0x1;
	s2 =	sadd.s32 s19, s18  }
0x9c: {  	s6 =	simm.s32 $0x0;
	s20 =	sshll.u32 s4, $0x1;
	s4 =	sadd.s32 s21, s2  }
0x9d: {  	[timem:s6], [sflag:s22] =	dma.local [hbm:s4], s20  }
0x9e: {  	_ =	swait.ge [sflag:s22], s20  }
0x9f: {  	s3 =	ssub.s32 $0x0, s20;
	[sflag:s22] =	ssyncset.done $0x0  }
0xa0: {  	[sflag:s22] =	ssyncadd.s32 s3;
	_ =	sdelay $0x1  }
0xa1: {  	s23 =	simm.s32 $0x1B8B  }
0xa2: {  	_ =	swait.ge [sflag:s23], $0x1  }
0xa3: {  	[sflag:s23] =	ssyncset.done $0x0  }
0xa4: {  	s25 =	simm.s32 $0x1B8E;
	s24 =	sld [smem:$0x3FFE];
	[sflag:s23] =	ssyncadd.s32 $0xFFFFFFFF  }
0xa5: {  	s26 =	simm.s32 $execute0_lowered;
	[smem:$0x3FD2] =	sst s25  }
0xa6: {  	s4 =	sshll.u32 s26, $0x1;
	_ =	strace $0x80000055;
	[dreg:$0x1] =	wrdreg $0xFFFFFFFF  }
0xa7: {  	s28 =	simm.s32 $_size_execute0_lowered;
	s2 =	sadd.s32 s2, s4;
	[dreg:$0x0] =	wrdreg $0x0  }
0xa8: {  	s4 =	sshll.u32 s28, $0x1;
	[dreg:$0x2] =	wrdreg s2  }
0xa9: {  	[dreg:$0x3] =	wrdreg s4  }
0xaa: {  	[dreg:$0x4] =	wrdreg $0xC0  }
0xab: {  	_ =	task [dreg:s6], $0x5FFFF  }
0xac: {  	[dreg:$0x1] =	wrdreg $0xFFFFFFFF  }
0xad: {  	[dreg:$0x0] =	wrdreg $0x60  }
0xae: {  	[dreg:$0x2] =	wrdreg s24  }
0xaf: {  	[dreg:$0x3] =	wrdreg $0x9  }
0xb0: {  	_ =	task.clear_ibuf [dreg:s6], $0x4FFFF;
	_ =	strace $0x90000055  }
0xb1: {  	s29 =	simm.s32 $0x9;
	_ =	strace $0x80000057  }
0xb2: {  	_ =	swait.ge [sflag:s29], $0x1  }
0xb3: {  	[sflag:s29] =	ssyncadd.s32 $0xFFFFFFFF  }
0xb4: {  	_ =	strace $0x90000057  }
0xb5: {  	_ =	sfence  }
0xb6: {  	s30 =	sld [smem:$0x0];
	_ =	sdelay $0x2  }
0xb7: {  	s31 =	sshll.u32 s1, $0xD;
	s1 =	sshrl.u32 s1, $0x2  }
0xb8: {  	s3 =	sand.u32 $0x4000, s31;
	s1 =	sadd.s32 s1, s30  }
0xb9: {  	s0 =	sor.u32 s3, s0;
	s1 =	sshll.u32 s1, $0x11  }
0xba: {  	s0 =	sor.u32 s1, s0  }
0xbb: {  	s0 =	sadd.s32 $0x8F2B, s0  }
0xbc: {  	[sflag:s0] =	ssyncadd.remote.s32 $0x1  }
0xbd: {  	_ =	sfence.sel $0xFFFF  }
0xbe: {  	[dreg:$0x0] =	wrdreg $0xFFFFFFFF;
	(pc) =	sbr.abs _section_cstart, $3  }
0xbf: {  	[dreg:$0x1] =	wrdreg $0xFFFFFFFF  }
0xc0: {  	_ =	task.clear_ibuf [dreg:s6], $0x2FFFF;
	_ =	strace $0x9FFFFFFF  }
0xc1: {  	(tm) =	ssettm $0x7FFFFFFF  }
tec
execute0_lowered:
.L_overlay_start_1:
0x0: {  	(tag) =	ssettag $0x1  }
0x1: {  	s4 =	rddreg [dreg:$0x0]  }
0x2: {  	s0 =	rddreg [dreg:$0x1];
	s2 =	simm.s32 $0x0;
	s1 =	stileid.u32  }
0x3: {  	s5 =	srdreg.scid;
	s11 =	simm.s32 $0x0;
	[smem:$0x7FF] =	sst s2  }
0x4: {  	s3 =	sadd.s32 $0x890000, s4;
	s6 =	sshll.u32 s1, $0xF;
	s5 =	sand.u32 $0x1, s5  }
0x5: {  	s8 =	sshll.u32 s1, $0xE;
	_ =	strace $0x80000056;
	s7 =	ssub.s32 $0x2, s5  }
0x6: {  	s9 =	sshll.u32 s5, $0xD;
	s6 =	sadd.s32 s6, s4;
	s31 =	sshll.u32 s5, $0xE  }
0x7: {  	s10 =	sshrl.u32 s7, $0x1;
	s8 =	sor.u32 s9, s8;
	s6 =	sadd.s32 s31, s6  }
0x8: {  	s9 =	simm.s32 $0x2000;
	s7 =	ssub.s32 s7, s10;
	s8 =	sshrl.u32 s8, $0x3  }
0x9: {  	s6 =	sadd.s32 $0x90000, s6;
	s10 =	simm.s32 $0x1;
	s4 =	sadd.s32 s4, s8  }
0xa: {  	s5 =	smax.u32 s7, $0x1;
	s7 =	simm.s32 $0x2;
	s8 =	simm.s32 $0x80  }
.LBB2_1:
0xb: {  	[tilespmem:s2], [sflag:$0x2] =	stream.linear.gather [hbm4b:s4+s2], $0x2000, $0x38;
	[tilespmem:$0x2800] =	vst v63  }
0xc: {  	_ =	swait.ge [sflag:s7], $0x2000  }
0xd: {  	[sflag:s7] =	ssyncset.done $0x0  }
0xe: {  	[sflag:s7] =	ssyncadd.s32 $0xFFFFE000  }
0xf: {  	[tilespmem:s9], [sflag:$0x1] =	stream.indirect.gather [hbm4b:s3+s8], $0x10, s2, s8, $0xb8;
	[tilespmem:$0x2800] =	vst v63  }
0x10: {  	_ =	swait.ge [sflag:s10], $0x800  }
0x11: {  	[sflag:s10] =	ssyncset.done $0x0  }
0x12: {  	s12 =	sadd.s32 $0x0, s6;
	[sflag:s10] =	ssyncadd.s32 $0xFFFFF800  }
0x13: {  	[hbm4b:s12+s2] =	stream.linear.scatter [tilespmem:s9], [sflag:$0x2], $0x800, $0x38;
	[tilespmem:$0x2800] =	vst v63  }
0x14: {  	_ =	swait.ge [sflag:s7], $0x800  }
0x15: {  	s13 =	simm.s32 $0x0;
	s12 =	simm.s32 $0x100;
	[sflag:s7] =	ssyncset.done $0x0  }
.LBB2_2:
0x16: {  	p0 =	sne.s32 s12, $0x3F00;
	[sflag:s7] =	ssyncadd.s32 $0xFFFFF800;
	s13 =	sadd.s32 $0x80, s13  }
0x17: {  	[tilespmem:s9], [sflag:$0x1] =	stream.indirect.gather [hbm4b:s3+s8], $0x10, s13, s8, $0xb8;
	[tilespmem:$0x2800] =	vst v63  }
0x18: {  	s14 =	smov.u32 s12;
	s12 =	sadd.s32 $0x100, s12;
	_ =	swait.ge [sflag:s10], $0x800  }
.Ltmp0:
0x19: {  	[sflag:s10] =	ssyncset.done $0x0;
	(pc) =	sbr.rel @p0 .LBB2_2-.Ltmp0, $4  }
0x1a: {  	s14 =	sadd.s32 s14, s6;
	[sflag:s10] =	ssyncadd.s32 $0xFFFFF800  }
0x1b: {  	[hbm4b:s14+s2] =	stream.linear.scatter [tilespmem:s9], [sflag:$0x2], $0x800, $0x38;
	[tilespmem:$0x2800] =	vst v63  }
0x1c: {  	_ =	swait.ge [sflag:s7], $0x800  }
0x1d: {  	[sflag:s7] =	ssyncset.done $0x0  }
0x1e: {  	s11 =	sadd.s32 $0x1, s11  }
0x1f: {  	p0 =	sne.s32 s11, s5  }
.Ltmp1:
0x20: {  	_ = 	snop;
	(pc) =	sbr.rel @p0 .LBB2_1-.Ltmp1, $2  }
0x21: {  	_ =	sdelay $0x2  }
0x22: {  	[sflag:s7] =	ssyncadd.s32 $0xFFFFF800  }
0x23: {  	_ =	sfence.sel $0x180000  }
0x24: {  	[bflag:$0x0] =	sbarrier.arrive $0xFFFF  }
0x25: {  	p0 =	sne.s32 s1, $0x0;
	_ =	strace $0x90000056  }
0x26: {  	s0 =	sadd.s32 @!p0 $0x100000, s0;
	[bflag:$0x2] =	sbarrier.arrive $0xFFFF  }
0x27: {  	[sflag:s0] =	ssyncadd.tile.s32 @!p0 $0x1;
	_ =	shalt  }
.Lfunc_end2:
_tile_overlayer_lowered:
.L_overlay_start_2:
0x28: {  	(tag) =	ssettag $0x2  }
0x29: {  	s0 =	rddreg [dreg:$0x0];
	s2 =	stileid.u32  }
0x2a: {  	s1 =	rddreg [dreg:$0x1];
	p0 =	sne.s32 s2, $0x0  }
0x2b: {  	s3 =	rddreg [dreg:$0x2];
	[bflag:$0x3] =	sbarrier.arrive $0xFFFF;
	s2 =	simm.s32 @!p0 $0x1C02  }
0x2c: {  	[timem:s3], [sflag:s2] =	dma.local @!p0 [hbm:s0], s1  }
0x2d: {  	s0 =	simm.s32 @!p0 $0x2  }
0x2e: {  	_ =	swait.ge @!p0 [sflag:s0], s1  }
0x2f: {  	s1 =	ssub.s32 @!p0 $0x0, s1;
	[sflag:s0] =	ssyncset.done @!p0 $0x0  }
0x30: {  	[sflag:s0] =	ssyncadd.s32 @!p0 s1  }
0x31: {  	[bflag:$0x3] =	sbarrier.arrive $0xFFFF  }
0x32: {  	_ =	shalt  }

// kernel: kernel.13.cloned.1.call-start
scs
__scs_entry_jumppad:
0x0: {  	(pc) =	sbr.rel $0x88, $3  }
0x1: {  	(tag) =	ssettag $0x0;
	lr =	simm.s32 $0x1  }
0x2: {  	[smem:$0x3F8E] =	sst lr;
	_ =	strace $0xD0000000  }
0x3: {  	_ = 	snop  }
0x4: {  	_ = 	snop  }
0x5: {  	_ = 	snop  }
0x6: {  	_ = 	snop  }
0x7: {  	_ = 	snop  }
__scs_overlays_trampoline_lowered:
0x8: {  	[smem:$0x3F9D] =	sst s0  }
0x9: {  	[smem:$0x3F9E] =	sst s1  }
0xa: {  	[smem:$0x3F9F] =	sst s2  }
0xb: {  	[smem:$0x3FA0] =	sst s3  }
0xc: {  	[smem:$0x3FA1] =	sst s4  }
0xd: {  	[smem:$0x3FA2] =	sst s5  }
0xe: {  	[smem:$0x3FA3] =	sst s6  }
0xf: {  	[smem:$0x3FA4] =	sst s7  }
0x10: {  	[smem:$0x3FA5] =	sst s8  }
0x11: {  	[smem:$0x3FA6] =	sst s9;
	s0 =	simm.s32 @!p0 $0x0  }
0x12: {  	s1 =	sld [smem:$0x3F8C];
	s0 =	simm.s32 @p0 $0x1  }
0x13: {  	[smem:$0x3FA7] =	sst s0;
	s0 =	simm.s32 @!p1 $0x0  }
0x14: {  	s2 =	sld [smem:$0x3F8B];
	s0 =	simm.s32 @p1 $0x1  }
0x15: {  	[smem:$0x3FA8] =	sst s0;
	s0 =	simm.s32 @!p2 $0x0  }
0x16: {  	s3 =	sld [smem:$0x3FDB];
	s0 =	simm.s32 @p2 $0x1  }
0x17: {  	s4 =	simm.s32 $0x1BF5;
	[smem:$0x3FAA] =	sst s0  }
0x18: {  	s0 =	sld [smem:$0x3F8D];
	_ =	swait.ge [sflag:s4], $0x0  }
0x19: {  	s7 =	sld [smem:$0x3F8E]  }
0x1a: {  	s8 =	sadd.s32 $0xFFFFE003, lr  }
0x1b: {  	s9 =	sadd.s32 $0xFFFFFEF7, lr;
	s5 =	simm.s32 $0xFFFFFFFF;
	p2 =	slt.u32 s8, $0xFFFFF086  }
0x1c: {  	p1 =	slt.u32 s9, $0xF7A;
	s5 =	simm.s32 @!p2 $0x0  }
0x1d: {  	s5 =	simm.s32 @p1 $0x1;
	p0 =	seq.s32 s7, s2  }
0x1e: {  	s7 =	smul.u32 @!p0 $0xF7A, s2;
	p2 =	seq.s32 @!p0 s5, $0x0  }
0x1f: {  	s9 =	smul.u32 $0xF7A, s1;
	s8 =	simm.s32 @!p0 $0x1BF5;
	p2 =	por !p2, p0  }
0x20: {  	[sflag:s8] =	ssyncset.s32 @!p0 $0xFFFFF086;
	s6 =	sadd.s32 @!p0 s3, s7;
	s7 =	simm.s32 @!p0 $0x108  }
0x21: {  	s3 =	sadd.s32 s3, s9;
	s6 =	sadd.s32 @!p0 $0x88, s6;
	s7 =	simm.s32 @p2 $0x1082  }
0x22: {  	[simem:s7], [sflag:s8] =	dma.local @!p0 [hbm:s6], $0xF7A  }
0x23: {  	s9 =	sor.u32 $0xD0000000, s2;
	s6 =	simm.s32 $0x108;
	_ =	swait.ge @!p0 [sflag:s8], $0x0  }
0x24: {  	s3 =	sadd.s32 $0x88, s3;
	s6 =	simm.s32 @!p1 $0x1082;
	[sflag:s4] =	ssyncset.s32 $0xFFFFF086  }
0x25: {  	[simem:s6], [sflag:s4] =	dma.local [hbm:s3], $0xF7A  }
0x26: {  	[smem:$0x3F8E] =	sst s1;
	(tag) =	ssettag s2;
	_ =	strace s9  }
0x27: {  	s1 =	sld [smem:$0x3F9E]  }
0x28: {  	s2 =	sld [smem:$0x3F9F]  }
0x29: {  	s4 =	sld [smem:$0x3FA1]  }
0x2a: {  	p0 =	seq.s32 s5, $0x0;
	s5 =	sld [smem:$0x3FA2]  }
0x2b: {  	s6 =	sld [smem:$0x3FA3]  }
0x2c: {  	s7 =	sld [smem:$0x3FA4]  }
0x2d: {  	s3 =	simm.s32 $0x108;
	s8 =	sld [smem:$0x3FA5]  }
0x2e: {  	s3 =	simm.s32 @!p0 $0x1082;
	s9 =	sld [smem:$0x3FA6]  }
0x2f: {  	lr =	sadd.s32 s0, s3;
	s0 =	sld [smem:$0x3F9D]  }
0x30: {  	s3 =	sld [smem:$0x3FA0]  }
0x31: {  	[smem:$0x3FA9] =	sst s10  }
0x32: {  	s10 =	sld [smem:$0x3FA7];
	_ =	sdelay $0x3  }
0x33: {  	p0 =	seq.s32 s10, $0x1;
	s10 =	sld [smem:$0x3FA9];
	_ =	sdelay $0x3  }
0x34: {  	[smem:$0x3FA9] =	sst s10  }
0x35: {  	s10 =	sld [smem:$0x3FA8];
	_ =	sdelay $0x3  }
0x36: {  	p1 =	seq.s32 s10, $0x1;
	s10 =	sld [smem:$0x3FA9];
	_ =	sdelay $0x3  }
0x37: {  	[smem:$0x3FA9] =	sst s10  }
0x38: {  	s10 =	sld [smem:$0x3FAA]  }
0x39: {  	_ = 	snop;
	(pc) =	sbr.ind lr, $3  }
0x3a: {  	_ = 	snop  }
0x3b: {  	_ = 	snop  }
0x3c: {  	p2 =	seq.s32 s10, $0x1;
	s10 =	sld [smem:$0x3FA9]  }
0x3d: {  	_ =	shalt  }
0x3e: {  	_ =	shalt  }
0x3f: {  	_ =	shalt  }
0x40: {  	_ =	shalt  }
0x41: {  	_ =	shalt  }
0x42: {  	_ =	shalt  }
0x43: {  	_ =	shalt  }
0x44: {  	_ =	shalt  }
0x45: {  	_ =	shalt  }
0x46: {  	_ =	shalt  }
0x47: {  	_ =	shalt  }
0x48: {  	_ =	shalt  }
0x49: {  	_ =	shalt  }
0x4a: {  	_ =	shalt  }
0x4b: {  	_ =	shalt  }
0x4c: {  	_ =	shalt  }
0x4d: {  	_ =	shalt  }
0x4e: {  	_ =	shalt  }
0x4f: {  	_ =	shalt  }
0x50: {  	_ =	shalt  }
0x51: {  	_ =	shalt  }
0x52: {  	_ =	shalt  }
0x53: {  	_ =	shalt  }
0x54: {  	_ =	shalt  }
0x55: {  	_ =	shalt  }
0x56: {  	_ =	shalt  }
0x57: {  	_ =	shalt  }
0x58: {  	_ =	shalt  }
0x59: {  	_ =	shalt  }
0x5a: {  	_ =	shalt  }
0x5b: {  	_ =	shalt  }
0x5c: {  	_ =	shalt  }
0x5d: {  	_ =	shalt  }
0x5e: {  	_ =	shalt  }
0x5f: {  	_ =	shalt  }
0x60: {  	_ =	shalt  }
0x61: {  	_ =	shalt  }
0x62: {  	_ =	shalt  }
0x63: {  	_ =	shalt  }
0x64: {  	_ =	shalt  }
0x65: {  	_ =	shalt  }
0x66: {  	_ =	shalt  }
0x67: {  	_ =	shalt  }
0x68: {  	_ =	shalt  }
0x69: {  	_ =	shalt  }
0x6a: {  	_ =	shalt  }
0x6b: {  	_ =	shalt  }
0x6c: {  	_ =	shalt  }
0x6d: {  	_ =	shalt  }
0x6e: {  	_ =	shalt  }
0x6f: {  	_ =	shalt  }
0x70: {  	_ =	shalt  }
0x71: {  	_ =	shalt  }
0x72: {  	_ =	shalt  }
0x73: {  	_ =	shalt  }
0x74: {  	_ =	shalt  }
0x75: {  	_ =	shalt  }
0x76: {  	_ =	shalt  }
0x77: {  	_ =	shalt  }
0x78: {  	_ =	shalt  }
0x79: {  	_ =	shalt  }
0x7a: {  	_ =	shalt  }
0x7b: {  	_ =	shalt  }
0x7c: {  	_ =	shalt  }
0x7d: {  	_ =	shalt  }
0x7e: {  	_ =	shalt  }
0x7f: {  	_ =	shalt  }
0x80: {  	_ =	shalt  }
0x81: {  	_ =	shalt  }
0x82: {  	_ =	shalt  }
0x83: {  	_ =	shalt  }
0x84: {  	_ =	shalt  }
0x85: {  	_ =	shalt  }
0x86: {  	_ =	shalt  }
0x87: {  	_ =	shalt  }
.Lfunc_end0:
.L_simem_size_0:
called_computation.7_lowered:
.L_overlay_start_0:
0x88: {  	s2 =	sld [smem:$0x3FD9]  }
0x89: {  	s3 =	sld [smem:$0x3FFE];
	_ =	sdelay $0x1  }
0x8a: {  	s1 =	srdreg.scid  }
0x8b: {  	s0 =	sand.u32 $0x1, s1  }
0x8c: {  	s17 =	sshll.u32 s0, $0xA;
	s2 =	sadd.s32 s3, s2  }
0x8d: {  	s2 =	sadd.s32 s2, s17  }
0x8e: {  	[smem:$0x3FB5] =	sst s2  }
0x8f: {  	_ = 	snop  }
0x90: {  	s18 =	sld [smem:$0x3FC7];
	(tm) =	ssettm $0x1  }
0x91: {  	s19 =	sld [smem:$0x3FFB];
	_ =	sdelay $0x3  }
0x92: {  	_ =	strace s19  }
0x93: {  	s2 =	sld [smem:$0x3FFC];
	_ =	sdelay $0x3  }
0x94: {  	_ =	strace s2  }
0x95: {  	s2 =	sld [smem:$0x3FFD];
	_ =	sdelay $0x3  }
0x96: {  	_ =	strace s2  }
0x97: {  	_ =	strace $0x8FFFFFFF  }
0x98: {  	s20 =	sld [smem:$0x3FDB];
	_ =	sdelay $0x1  }
0x99: {  	s4 =	simm.s32 $_scs_section_size  }
0x9a: {  	s5 =	simm.s32 $_size__tile_overlayer_lowered;
	s6 =	simm.s32 $_tile_overlayer_lowered  }
0x9b: {  	s7 =	simm.s32 $0x1BFF;
	s21 =	sshll.u32 s6, $0x1;
	s4 =	sadd.s32 s4, s20  }
0x9c: {  	s22 =	simm.s32 $0x0;
	s5 =	sshll.u32 s5, $0x1;
	s6 =	sadd.s32 s21, s4  }
0x9d: {  	[timem:s22], [sflag:s7] =	dma.local [hbm:s6], s5  }
0x9e: {  	_ =	swait.ge [sflag:s7], s5  }
0x9f: {  	s5 =	ssub.s32 $0x0, s5;
	[sflag:s7] =	ssyncset.done $0x0  }
0xa0: {  	[sflag:s7] =	ssyncadd.s32 s5;
	_ =	sdelay $0x1  }
0xa1: {  	s23 =	simm.s32 $0x1B8B  }
0xa2: {  	_ =	swait.ge [sflag:s23], $0x1  }
0xa3: {  	[sflag:s23] =	ssyncset.done $0x0  }
0xa4: {  	[sflag:s23] =	ssyncadd.s32 $0xFFFFFFFF  }
0xa5: {  	s5 =	sld [smem:$0x0]  }
0xa6: {  	s6 =	sand.u32 $0xFFFFFFFE, s1  }
0xa7: {  	p0 =	sne.s32 s1, s6  }
0xa8: {  	s6 =	sshll.u32 @p0 s6, $0xE  }
0xa9: {  	s6 =	sadd.s32 @p0 $0x11B8D, s6;
	s7 =	sshll.u32 @p0 s5, $0x11  }
0xaa: {  	s6 =	sor.u32 @p0 s7, s6  }
0xab: {  	[sflag:s6] =	ssyncadd.remote.s32 @p0 $0x1;
	_ =	sdelay $0x1  }
0xac: {  	s6 =	simm.s32 @p0 $0x1B8D  }
0xad: {  	_ =	swait.eq @p0 [sflag:s6], $0x1  }
0xae: {  	[sflag:s6] =	ssyncadd.s32 @p0 $0xFFFFFFFF  }
0xaf: {  	s7 =	sshll.u32 @!p0 s1, $0xE  }
0xb0: {  	s7 =	sor.u32 @!p0 $0x4000, s7;
	s6 =	simm.s32 @!p0 $0x1B8D  }
0xb1: {  	s5 =	sshll.u32 @!p0 s5, $0x11;
	s7 =	sadd.s32 @!p0 $0x11B8D, s7;
	_ =	swait.eq @!p0 [sflag:s6], $0x1  }
0xb2: {  	s5 =	sor.u32 @!p0 s5, s7;
	[sflag:s6] =	ssyncadd.s32 @!p0 $0xFFFFFFFF  }
0xb3: {  	s25 =	simm.s32 $0x1B8E;
	s24 =	sld [smem:$0x3FFE];
	[sflag:s5] =	ssyncadd.remote.s32 @!p0 $0x1  }
0xb4: {  	s26 =	simm.s32 $execute0_lowered;
	[smem:$0x3FD2] =	sst s25  }
0xb5: {  	s6 =	sshll.u32 s26, $0x1;
	_ =	strace $0x80000058;
	[dreg:$0x1] =	wrdreg $0xFFFFFFFF  }
0xb6: {  	s28 =	simm.s32 $_size_execute0_lowered;
	s4 =	sadd.s32 s4, s6;
	[dreg:$0x0] =	wrdreg $0x0  }
0xb7: {  	s6 =	sshll.u32 s28, $0x1;
	[dreg:$0x2] =	wrdreg s4  }
0xb8: {  	[dreg:$0x3] =	wrdreg s6  }
0xb9: {  	[dreg:$0x4] =	wrdreg $0xC0  }
0xba: {  	_ =	task [dreg:s22], $0x5FFFF  }
0xbb: {  	[dreg:$0x1] =	wrdreg $0xFFFFFFFF  }
0xbc: {  	[dreg:$0x0] =	wrdreg $0x60  }
0xbd: {  	[dreg:$0x2] =	wrdreg s18  }
0xbe: {  	[dreg:$0x3] =	wrdreg s24  }
0xbf: {  	[dreg:$0x4] =	wrdreg $0xA  }
0xc0: {  	_ =	task.clear_ibuf [dreg:s22], $0x5FFFF;
	_ =	strace $0x90000058  }
0xc1: {  	s29 =	simm.s32 $0xA;
	_ =	strace $0x8000005A  }
0xc2: {  	_ =	swait.ge [sflag:s29], $0x1  }
0xc3: {  	[sflag:s29] =	ssyncadd.s32 $0xFFFFFFFF  }
0xc4: {  	_ =	strace $0x9000005A  }
0xc5: {  	_ =	sfence  }
0xc6: {  	s30 =	sld [smem:$0x0];
	_ =	sdelay $0x2  }
0xc7: {  	s31 =	sshll.u32 s1, $0xD;
	s1 =	sshrl.u32 s1, $0x2  }
0xc8: {  	s4 =	sand.u32 $0x4000, s31;
	s1 =	sadd.s32 s1, s30  }
0xc9: {  	s0 =	sor.u32 s4, s0;
	s1 =	sshll.u32 s1, $0x11  }
0xca: {  	s0 =	sor.u32 s1, s0  }
0xcb: {  	s0 =	sadd.s32 $0x8F2B, s0  }
0xcc: {  	[sflag:s0] =	ssyncadd.remote.s32 $0x1  }
0xcd: {  	_ =	sfence.sel $0xFFFF  }
0xce: {  	[dreg:$0x0] =	wrdreg $0xFFFFFFFF;
	(pc) =	sbr.abs _section_cstart, $3  }
0xcf: {  	[dreg:$0x1] =	wrdreg $0xFFFFFFFF  }
0xd0: {  	_ =	task.clear_ibuf [dreg:s22], $0x2FFFF;
	_ =	strace $0x9FFFFFFF  }
0xd1: {  	(tm) =	ssettm $0x7FFFFFFF  }
tec
execute0_lowered:
.L_overlay_start_1:
0x0: {  	(tag) =	ssettag $0x1  }
0x1: {  	s1 =	rddreg [dreg:$0x0]  }
0x2: {  	s4 =	rddreg [dreg:$0x1]  }
0x3: {  	s0 =	rddreg [dreg:$0x2];
	s3 =	simm.s32 $0x0  }
0x4: {  	s2 =	stileid.u32;
	s5 =	srdreg.scid;
	s11 =	simm.s32 $0x0  }
0x5: {  	[smem:$0x7FF] =	sst s3;
	s6 =	sshll.u32 s2, $0x12;
	s5 =	sand.u32 $0x1, s5  }
0x6: {  	s8 =	sshll.u32 s2, $0xE;
	_ =	strace $0x80000059;
	s7 =	ssub.s32 $0x2, s5  }
0x7: {  	s9 =	sshll.u32 s5, $0xD;
	s6 =	sadd.s32 s6, s4;
	s31 =	sshll.u32 s5, $0x11  }
0x8: {  	s10 =	sshrl.u32 s7, $0x1;
	s8 =	sor.u32 s9, s8;
	s6 =	sadd.s32 s31, s6  }
0x9: {  	s9 =	simm.s32 $0x2000;
	s7 =	ssub.s32 s7, s10;
	s8 =	sshrl.u32 s8, $0x3  }
0xa: {  	s6 =	sadd.s32 $0x110000, s6;
	s10 =	simm.s32 $0x1;
	s4 =	sadd.s32 s4, s8  }
0xb: {  	s5 =	smax.u32 s7, $0x1;
	s7 =	simm.s32 $0x2;
	s8 =	simm.s32 $0x80  }
.LBB2_1:
0xc: {  	[tilespmem:s3], [sflag:$0x2] =	stream.linear.gather [hbm4b:s4+s3], $0x2000, $0x38;
	[tilespmem:$0x6000] =	vst v63  }
0xd: {  	_ =	swait.ge [sflag:s7], $0x2000  }
0xe: {  	[sflag:s7] =	ssyncset.done $0x0  }
0xf: {  	s12 =	simm.s32 $0x0;
	[sflag:s7] =	ssyncadd.s32 $0xFFFFE000  }
0x10: {  	[tilespmem:s9], [sflag:$0x1] =	stream.indirect.gather [hbm4b:s1+s8], $0x80, s12, s8, $0xb8;
	[tilespmem:$0x6000] =	vst v63  }
0x11: {  	_ =	swait.ge [sflag:s10], $0x4000  }
0x12: {  	[sflag:s10] =	ssyncset.done $0x0  }
0x13: {  	[sflag:s10] =	ssyncadd.s32 $0xFFFFC000  }
0x14: {  	[hbm4b:s6+s3] =	stream.linear.scatter [tilespmem:s9], [sflag:$0x2], $0x4000, $0x38;
	[tilespmem:$0x6000] =	vst v63  }
0x15: {  	s13 =	simm.s32 $0x200;
	_ =	swait.ge [sflag:s7], $0x4000  }
0x16: {  	s14 =	simm.s32 $0x400;
	s12 =	sadd.s32 $0x800, s6;
	[sflag:s7] =	ssyncset.done $0x0  }
.LBB2_2:
0x17: {  	s15 =	sshra.s32 s13, $0x2  }
0x18: {  	[sflag:s7] =	ssyncadd.s32 $0xFFFFC000;
	s13 =	smov.u32 s14;
	s16 =	sadd.s32 $0x200, s14  }
0x19: {  	[tilespmem:s9], [sflag:$0x1] =	stream.indirect.gather [hbm4b:s1+s8], $0x80, s15, s8, $0xb8;
	[tilespmem:$0x6000] =	vst v63  }
0x1a: {  	p0 =	sne.s32 s14, $0x7E00;
	_ =	swait.ge [sflag:s10], $0x4000  }
.Ltmp0:
0x1b: {  	[sflag:s10] =	ssyncset.done $0x0;
	(pc) =	sbr.rel @p0 .LBB2_2-.Ltmp0, $4  }
0x1c: {  	[sflag:s10] =	ssyncadd.s32 $0xFFFFC000  }
0x1d: {  	[hbm4b:s12+s3] =	stream.linear.scatter [tilespmem:s9], [sflag:$0x2], $0x4000, $0x38;
	[tilespmem:$0x6000] =	vst v63  }
0x1e: {  	_ =	swait.ge [sflag:s7], $0x4000  }
0x1f: {  	s14 =	smov.u32 s16;
	s12 =	sadd.s32 $0x800, s12;
	[sflag:s7] =	ssyncset.done $0x0  }
0x20: {  	s13 =	sshra.s32 s13, $0x2;
	[sflag:s7] =	ssyncadd.s32 $0xFFFFC000  }
0x21: {  	[tilespmem:s9], [sflag:$0x1] =	stream.indirect.gather [hbm4b:s1+s8], $0x80, s13, s8, $0xb8;
	[tilespmem:$0x6000] =	vst v63  }
0x22: {  	s11 =	sadd.s32 $0x1, s11;
	_ =	swait.ge [sflag:s10], $0x4000  }
0x23: {  	p0 =	sne.s32 s11, s5;
	[sflag:s10] =	ssyncset.done $0x0  }
.Ltmp1:
0x24: {  	[sflag:s10] =	ssyncadd.s32 $0xFFFFC000;
	(pc) =	sbr.rel @p0 .LBB2_1-.Ltmp1, $4  }
0x25: {  	[hbm4b:s12+s3] =	stream.linear.scatter [tilespmem:s9], [sflag:$0x2], $0x4000, $0x38;
	[tilespmem:$0x6000] =	vst v63  }
0x26: {  	_ =	swait.ge [sflag:s7], $0x4000  }
0x27: {  	[sflag:s7] =	ssyncset.done $0x0  }
0x28: {  	[sflag:s7] =	ssyncadd.s32 $0xFFFFC000  }
0x29: {  	_ =	sfence.sel $0x180000  }
0x2a: {  	[bflag:$0x0] =	sbarrier.arrive $0xFFFF  }
0x2b: {  	p0 =	sne.s32 s2, $0x0;
	_ =	strace $0x90000059  }
0x2c: {  	s0 =	sadd.s32 @!p0 $0x100000, s0;
	[bflag:$0x2] =	sbarrier.arrive $0xFFFF  }
0x2d: {  	[sflag:s0] =	ssyncadd.tile.s32 @!p0 $0x1;
	_ =	shalt  }
.Lfunc_end2:
_tile_overlayer_lowered:
.L_overlay_start_2:
0x2e: {  	(tag) =	ssettag $0x2  }
0x2f: {  	s0 =	rddreg [dreg:$0x0];
	s2 =	stileid.u32  }
0x30: {  	s1 =	rddreg [dreg:$0x1];
	p0 =	sne.s32 s2, $0x0  }
0x31: {  	s3 =	rddreg [dreg:$0x2];
	[bflag:$0x3] =	sbarrier.arrive $0xFFFF;
	s2 =	simm.s32 @!p0 $0x1C02  }
0x32: {  	[timem:s3], [sflag:s2] =	dma.local @!p0 [hbm:s0], s1  }
0x33: {  	s0 =	simm.s32 @!p0 $0x2  }
0x34: {  	_ =	swait.ge @!p0 [sflag:s0], s1  }
0x35: {  	s1 =	ssub.s32 @!p0 $0x0, s1;
	[sflag:s0] =	ssyncset.done @!p0 $0x0  }
0x36: {  	[sflag:s0] =	ssyncadd.s32 @!p0 s1  }
0x37: {  	[bflag:$0x3] =	sbarrier.arrive $0xFFFF  }
0x38: {  	_ =	shalt  }

// kernel: kernel.7.cloned.1.call-start
scs
__scs_entry_jumppad:
0x0: {  	(pc) =	sbr.rel $0x88, $3  }
0x1: {  	(tag) =	ssettag $0x0;
	lr =	simm.s32 $0x1  }
0x2: {  	[smem:$0x3F8E] =	sst lr;
	_ =	strace $0xD0000000  }
0x3: {  	_ = 	snop  }
0x4: {  	_ = 	snop  }
0x5: {  	_ = 	snop  }
0x6: {  	_ = 	snop  }
0x7: {  	_ = 	snop  }
__scs_overlays_trampoline_lowered:
0x8: {  	[smem:$0x3F9D] =	sst s0  }
0x9: {  	[smem:$0x3F9E] =	sst s1  }
0xa: {  	[smem:$0x3F9F] =	sst s2  }
0xb: {  	[smem:$0x3FA0] =	sst s3  }
0xc: {  	[smem:$0x3FA1] =	sst s4  }
0xd: {  	[smem:$0x3FA2] =	sst s5  }
0xe: {  	[smem:$0x3FA3] =	sst s6  }
0xf: {  	[smem:$0x3FA4] =	sst s7  }
0x10: {  	[smem:$0x3FA5] =	sst s8  }
0x11: {  	[smem:$0x3FA6] =	sst s9;
	s0 =	simm.s32 @!p0 $0x0  }
0x12: {  	s1 =	sld [smem:$0x3F8C];
	s0 =	simm.s32 @p0 $0x1  }
0x13: {  	[smem:$0x3FA7] =	sst s0;
	s0 =	simm.s32 @!p1 $0x0  }
0x14: {  	s2 =	sld [smem:$0x3F8B];
	s0 =	simm.s32 @p1 $0x1  }
0x15: {  	[smem:$0x3FA8] =	sst s0;
	s0 =	simm.s32 @!p2 $0x0  }
0x16: {  	s3 =	sld [smem:$0x3FDB];
	s0 =	simm.s32 @p2 $0x1  }
0x17: {  	s4 =	simm.s32 $0x1BF5;
	[smem:$0x3FAA] =	sst s0  }
0x18: {  	s0 =	sld [smem:$0x3F8D];
	_ =	swait.ge [sflag:s4], $0x0  }
0x19: {  	s7 =	sld [smem:$0x3F8E]  }
0x1a: {  	s8 =	sadd.s32 $0xFFFFE003, lr  }
0x1b: {  	s9 =	sadd.s32 $0xFFFFFEF7, lr;
	s5 =	simm.s32 $0xFFFFFFFF;
	p2 =	slt.u32 s8, $0xFFFFF086  }
0x1c: {  	p1 =	slt.u32 s9, $0xF7A;
	s5 =	simm.s32 @!p2 $0x0  }
0x1d: {  	s5 =	simm.s32 @p1 $0x1;
	p0 =	seq.s32 s7, s2  }
0x1e: {  	s7 =	smul.u32 @!p0 $0xF7A, s2;
	p2 =	seq.s32 @!p0 s5, $0x0  }
0x1f: {  	s9 =	smul.u32 $0xF7A, s1;
	s8 =	simm.s32 @!p0 $0x1BF5;
	p2 =	por !p2, p0  }
0x20: {  	[sflag:s8] =	ssyncset.s32 @!p0 $0xFFFFF086;
	s6 =	sadd.s32 @!p0 s3, s7;
	s7 =	simm.s32 @!p0 $0x108  }
0x21: {  	s3 =	sadd.s32 s3, s9;
	s6 =	sadd.s32 @!p0 $0x88, s6;
	s7 =	simm.s32 @p2 $0x1082  }
0x22: {  	[simem:s7], [sflag:s8] =	dma.local @!p0 [hbm:s6], $0xF7A  }
0x23: {  	s9 =	sor.u32 $0xD0000000, s2;
	s6 =	simm.s32 $0x108;
	_ =	swait.ge @!p0 [sflag:s8], $0x0  }
0x24: {  	s3 =	sadd.s32 $0x88, s3;
	s6 =	simm.s32 @!p1 $0x1082;
	[sflag:s4] =	ssyncset.s32 $0xFFFFF086  }
0x25: {  	[simem:s6], [sflag:s4] =	dma.local [hbm:s3], $0xF7A  }
0x26: {  	[smem:$0x3F8E] =	sst s1;
	(tag) =	ssettag s2;
	_ =	strace s9  }
0x27: {  	s1 =	sld [smem:$0x3F9E]  }
0x28: {  	s2 =	sld [smem:$0x3F9F]  }
0x29: {  	s4 =	sld [smem:$0x3FA1]  }
0x2a: {  	p0 =	seq.s32 s5, $0x0;
	s5 =	sld [smem:$0x3FA2]  }
0x2b: {  	s6 =	sld [smem:$0x3FA3]  }
0x2c: {  	s7 =	sld [smem:$0x3FA4]  }
0x2d: {  	s3 =	simm.s32 $0x108;
	s8 =	sld [smem:$0x3FA5]  }
0x2e: {  	s3 =	simm.s32 @!p0 $0x1082;
	s9 =	sld [smem:$0x3FA6]  }
0x2f: {  	lr =	sadd.s32 s0, s3;
	s0 =	sld [smem:$0x3F9D]  }
0x30: {  	s3 =	sld [smem:$0x3FA0]  }
0x31: {  	[smem:$0x3FA9] =	sst s10  }
0x32: {  	s10 =	sld [smem:$0x3FA7];
	_ =	sdelay $0x3  }
0x33: {  	p0 =	seq.s32 s10, $0x1;
	s10 =	sld [smem:$0x3FA9];
	_ =	sdelay $0x3  }
0x34: {  	[smem:$0x3FA9] =	sst s10  }
0x35: {  	s10 =	sld [smem:$0x3FA8];
	_ =	sdelay $0x3  }
0x36: {  	p1 =	seq.s32 s10, $0x1;
	s10 =	sld [smem:$0x3FA9];
	_ =	sdelay $0x3  }
0x37: {  	[smem:$0x3FA9] =	sst s10  }
0x38: {  	s10 =	sld [smem:$0x3FAA]  }
0x39: {  	_ = 	snop;
	(pc) =	sbr.ind lr, $3  }
0x3a: {  	_ = 	snop  }
0x3b: {  	_ = 	snop  }
0x3c: {  	p2 =	seq.s32 s10, $0x1;
	s10 =	sld [smem:$0x3FA9]  }
0x3d: {  	_ =	shalt  }
0x3e: {  	_ =	shalt  }
0x3f: {  	_ =	shalt  }
0x40: {  	_ =	shalt  }
0x41: {  	_ =	shalt  }
0x42: {  	_ =	shalt  }
0x43: {  	_ =	shalt  }
0x44: {  	_ =	shalt  }
0x45: {  	_ =	shalt  }
0x46: {  	_ =	shalt  }
0x47: {  	_ =	shalt  }
0x48: {  	_ =	shalt  }
0x49: {  	_ =	shalt  }
0x4a: {  	_ =	shalt  }
0x4b: {  	_ =	shalt  }
0x4c: {  	_ =	shalt  }
0x4d: {  	_ =	shalt  }
0x4e: {  	_ =	shalt  }
0x4f: {  	_ =	shalt  }
0x50: {  	_ =	shalt  }
0x51: {  	_ =	shalt  }
0x52: {  	_ =	shalt  }
0x53: {  	_ =	shalt  }
0x54: {  	_ =	shalt  }
0x55: {  	_ =	shalt  }
0x56: {  	_ =	shalt  }
0x57: {  	_ =	shalt  }
0x58: {  	_ =	shalt  }
0x59: {  	_ =	shalt  }
0x5a: {  	_ =	shalt  }
0x5b: {  	_ =	shalt  }
0x5c: {  	_ =	shalt  }
0x5d: {  	_ =	shalt  }
0x5e: {  	_ =	shalt  }
0x5f: {  	_ =	shalt  }
0x60: {  	_ =	shalt  }
0x61: {  	_ =	shalt  }
0x62: {  	_ =	shalt  }
0x63: {  	_ =	shalt  }
0x64: {  	_ =	shalt  }
0x65: {  	_ =	shalt  }
0x66: {  	_ =	shalt  }
0x67: {  	_ =	shalt  }
0x68: {  	_ =	shalt  }
0x69: {  	_ =	shalt  }
0x6a: {  	_ =	shalt  }
0x6b: {  	_ =	shalt  }
0x6c: {  	_ =	shalt  }
0x6d: {  	_ =	shalt  }
0x6e: {  	_ =	shalt  }
0x6f: {  	_ =	shalt  }
0x70: {  	_ =	shalt  }
0x71: {  	_ =	shalt  }
0x72: {  	_ =	shalt  }
0x73: {  	_ =	shalt  }
0x74: {  	_ =	shalt  }
0x75: {  	_ =	shalt  }
0x76: {  	_ =	shalt  }
0x77: {  	_ =	shalt  }
0x78: {  	_ =	shalt  }
0x79: {  	_ =	shalt  }
0x7a: {  	_ =	shalt  }
0x7b: {  	_ =	shalt  }
0x7c: {  	_ =	shalt  }
0x7d: {  	_ =	shalt  }
0x7e: {  	_ =	shalt  }
0x7f: {  	_ =	shalt  }
0x80: {  	_ =	shalt  }
0x81: {  	_ =	shalt  }
0x82: {  	_ =	shalt  }
0x83: {  	_ =	shalt  }
0x84: {  	_ =	shalt  }
0x85: {  	_ =	shalt  }
0x86: {  	_ =	shalt  }
0x87: {  	_ =	shalt  }
.Lfunc_end0:
.L_simem_size_0:
called_computation.5_lowered:
.L_overlay_start_0:
0x88: {  	s2 =	sld [smem:$0x3FD9]  }
0x89: {  	s3 =	sld [smem:$0x3FFE];
	_ =	sdelay $0x1  }
0x8a: {  	s1 =	srdreg.scid  }
0x8b: {  	s0 =	sand.u32 $0x1, s1  }
0x8c: {  	s16 =	sshll.u32 s0, $0xA;
	s2 =	sadd.s32 s3, s2  }
0x8d: {  	s2 =	sadd.s32 s2, s16  }
0x8e: {  	[smem:$0x3FB5] =	sst s2  }
0x8f: {  	_ = 	snop  }
0x90: {  	(tm) =	ssettm $0x1  }
0x91: {  	s17 =	sld [smem:$0x3FFB];
	_ =	sdelay $0x3  }
0x92: {  	_ =	strace s17  }
0x93: {  	s2 =	sld [smem:$0x3FFC];
	_ =	sdelay $0x3  }
0x94: {  	_ =	strace s2  }
0x95: {  	s2 =	sld [smem:$0x3FFD];
	_ =	sdelay $0x3  }
0x96: {  	_ =	strace s2  }
0x97: {  	_ =	strace $0x8FFFFFFF  }
0x98: {  	s18 =	sld [smem:$0x3FDB];
	_ =	sdelay $0x1  }
0x99: {  	s19 =	simm.s32 $_scs_section_size  }
0x9a: {  	s4 =	simm.s32 $_size__tile_overlayer_lowered;
	s5 =	simm.s32 $_tile_overlayer_lowered  }
0x9b: {  	s22 =	simm.s32 $0x1BFF;
	s21 =	sshll.u32 s5, $0x1;
	s2 =	sadd.s32 s19, s18  }
0x9c: {  	s6 =	simm.s32 $0x0;
	s20 =	sshll.u32 s4, $0x1;
	s4 =	sadd.s32 s21, s2  }
0x9d: {  	[timem:s6], [sflag:s22] =	dma.local [hbm:s4], s20  }
0x9e: {  	_ =	swait.ge [sflag:s22], s20  }
0x9f: {  	s3 =	ssub.s32 $0x0, s20;
	[sflag:s22] =	ssyncset.done $0x0  }
0xa0: {  	[sflag:s22] =	ssyncadd.s32 s3;
	_ =	sdelay $0x1  }
0xa1: {  	s23 =	simm.s32 $0x1B8B  }
0xa2: {  	_ =	swait.ge [sflag:s23], $0x1  }
0xa3: {  	[sflag:s23] =	ssyncset.done $0x0  }
0xa4: {  	s25 =	simm.s32 $0x1B8E;
	s24 =	sld [smem:$0x3FFE];
	[sflag:s23] =	ssyncadd.s32 $0xFFFFFFFF  }
0xa5: {  	s26 =	simm.s32 $execute0_lowered;
	[smem:$0x3FD2] =	sst s25  }
0xa6: {  	s4 =	sshll.u32 s26, $0x1;
	_ =	strace $0x80000049;
	[dreg:$0x1] =	wrdreg $0xFFFFFFFF  }
0xa7: {  	s28 =	simm.s32 $_size_execute0_lowered;
	s2 =	sadd.s32 s2, s4;
	[dreg:$0x0] =	wrdreg $0x0  }
0xa8: {  	s4 =	sshll.u32 s28, $0x1;
	[dreg:$0x2] =	wrdreg s2  }
0xa9: {  	[dreg:$0x3] =	wrdreg s4  }
0xaa: {  	[dreg:$0x4] =	wrdreg $0xC0  }
0xab: {  	_ =	task [dreg:s6], $0x5FFFF  }
0xac: {  	[dreg:$0x1] =	wrdreg $0xFFFFFFFF  }
0xad: {  	[dreg:$0x0] =	wrdreg $0x60  }
0xae: {  	[dreg:$0x2] =	wrdreg s24  }
0xaf: {  	[dreg:$0x3] =	wrdreg $0x9  }
0xb0: {  	_ =	task.clear_ibuf [dreg:s6], $0x4FFFF;
	_ =	strace $0x90000049  }
0xb1: {  	s29 =	simm.s32 $0x9;
	_ =	strace $0x8000004B  }
0xb2: {  	_ =	swait.ge [sflag:s29], $0x1  }
0xb3: {  	[sflag:s29] =	ssyncadd.s32 $0xFFFFFFFF  }
0xb4: {  	_ =	strace $0x9000004B  }
0xb5: {  	_ =	sfence  }
0xb6: {  	s30 =	sld [smem:$0x0];
	_ =	sdelay $0x2  }
0xb7: {  	s31 =	sshll.u32 s1, $0xD;
	s1 =	sshrl.u32 s1, $0x2  }
0xb8: {  	s3 =	sand.u32 $0x4000, s31;
	s1 =	sadd.s32 s1, s30  }
0xb9: {  	s0 =	sor.u32 s3, s0;
	s1 =	sshll.u32 s1, $0x11  }
0xba: {  	s0 =	sor.u32 s1, s0  }
0xbb: {  	s0 =	sadd.s32 $0x8F2B, s0  }
0xbc: {  	[sflag:s0] =	ssyncadd.remote.s32 $0x1  }
0xbd: {  	_ =	sfence.sel $0xFFFF  }
0xbe: {  	[dreg:$0x0] =	wrdreg $0xFFFFFFFF;
	(pc) =	sbr.abs _section_cstart, $3  }
0xbf: {  	[dreg:$0x1] =	wrdreg $0xFFFFFFFF  }
0xc0: {  	_ =	task.clear_ibuf [dreg:s6], $0x2FFFF;
	_ =	strace $0x9FFFFFFF  }
0xc1: {  	(tm) =	ssettm $0x7FFFFFFF  }
tec
execute0_lowered:
.L_overlay_start_1:
0x0: {  	(tag) =	ssettag $0x1  }
0x1: {  	s4 =	rddreg [dreg:$0x0]  }
0x2: {  	s0 =	rddreg [dreg:$0x1]  }
0x3: {  	s3 =	srdreg.scid;
	s2 =	simm.s32 $0x0;
	s1 =	stileid.u32  }
0x4: {  	s10 =	simm.s32 $0x1;
	s11 =	simm.s32 $0x0;
	s5 =	sand.u32 $0x1, s3  }
0x5: {  	[smem:$0x7FF] =	sst s2;
	s29 =	sshll.u32 s1, $0xE;
	s3 =	sadd.s32 $0x890000, s4  }
0x6: {  	s8 =	sshll.u32 s1, $0xF;
	s6 =	sshll.u32 s5, $0xD;
	_ =	strace $0x8000004A  }
0x7: {  	s7 =	ssub.s32 $0x2, s5;
	s8 =	sadd.s32 s8, s4;
	s30 =	sshll.u32 s5, $0xE  }
0x8: {  	s6 =	sor.u32 s6, s29;
	s9 =	sshrl.u32 s7, $0x1;
	s31 =	sadd.s32 s30, s8  }
0x9: {  	s8 =	simm.s32 $0x80;
	s6 =	sshrl.u32 s6, $0x3;
	s7 =	ssub.s32 s7, s9  }
0xa: {  	s9 =	simm.s32 $0x2000;
	s6 =	sadd.s32 s6, s4;
	s5 =	smax.u32 s7, $0x1  }
0xb: {  	s7 =	simm.s32 $0x2;
	s4 =	sadd.s32 $0x8200, s6;
	s6 =	sadd.s32 $0x90000, s31  }
.LBB2_1:
0xc: {  	[tilespmem:s2], [sflag:$0x2] =	stream.linear.gather [hbm4b:s4+s2], $0x2000, $0x38;
	[tilespmem:$0x2800] =	vst v63  }
0xd: {  	_ =	swait.ge [sflag:s7], $0x2000  }
0xe: {  	[sflag:s7] =	ssyncset.done $0x0  }
0xf: {  	[sflag:s7] =	ssyncadd.s32 $0xFFFFE000  }
0x10: {  	[tilespmem:s9], [sflag:$0x1] =	stream.indirect.gather [hbm4b:s3+s8], $0x10, s2, s8, $0xb8;
	[tilespmem:$0x2800] =	vst v63  }
0x11: {  	_ =	swait.ge [sflag:s10], $0x800  }
0x12: {  	[sflag:s10] =	ssyncset.done $0x0  }
0x13: {  	s12 =	sadd.s32 $0x0, s6;
	[sflag:s10] =	ssyncadd.s32 $0xFFFFF800  }
0x14: {  	[hbm4b:s12+s2] =	stream.linear.scatter [tilespmem:s9], [sflag:$0x2], $0x800, $0x38;
	[tilespmem:$0x2800] =	vst v63  }
0x15: {  	_ =	swait.ge [sflag:s7], $0x800  }
0x16: {  	s13 =	simm.s32 $0x0;
	s12 =	simm.s32 $0x100;
	[sflag:s7] =	ssyncset.done $0x0  }
.LBB2_2:
0x17: {  	p0 =	sne.s32 s12, $0x3F00;
	[sflag:s7] =	ssyncadd.s32 $0xFFFFF800;
	s13 =	sadd.s32 $0x80, s13  }
0x18: {  	[tilespmem:s9], [sflag:$0x1] =	stream.indirect.gather [hbm4b:s3+s8], $0x10, s13, s8, $0xb8;
	[tilespmem:$0x2800] =	vst v63  }
0x19: {  	s14 =	smov.u32 s12;
	s12 =	sadd.s32 $0x100, s12;
	_ =	swait.ge [sflag:s10], $0x800  }
.Ltmp0:
0x1a: {  	[sflag:s10] =	ssyncset.done $0x0;
	(pc) =	sbr.rel @p0 .LBB2_2-.Ltmp0, $4  }
0x1b: {  	s14 =	sadd.s32 s14, s6;
	[sflag:s10] =	ssyncadd.s32 $0xFFFFF800  }
0x1c: {  	[hbm4b:s14+s2] =	stream.linear.scatter [tilespmem:s9], [sflag:$0x2], $0x800, $0x38;
	[tilespmem:$0x2800] =	vst v63  }
0x1d: {  	_ =	swait.ge [sflag:s7], $0x800  }
0x1e: {  	[sflag:s7] =	ssyncset.done $0x0  }
0x1f: {  	s11 =	sadd.s32 $0x1, s11  }
0x20: {  	p0 =	sne.s32 s11, s5  }
.Ltmp1:
0x21: {  	_ = 	snop;
	(pc) =	sbr.rel @p0 .LBB2_1-.Ltmp1, $2  }
0x22: {  	_ =	sdelay $0x2  }
0x23: {  	[sflag:s7] =	ssyncadd.s32 $0xFFFFF800  }
0x24: {  	_ =	sfence.sel $0x180000  }
0x25: {  	[bflag:$0x0] =	sbarrier.arrive $0xFFFF  }
0x26: {  	p0 =	sne.s32 s1, $0x0;
	_ =	strace $0x9000004A  }
0x27: {  	s0 =	sadd.s32 @!p0 $0x100000, s0;
	[bflag:$0x2] =	sbarrier.arrive $0xFFFF  }
0x28: {  	[sflag:s0] =	ssyncadd.tile.s32 @!p0 $0x1;
	_ =	shalt  }
.Lfunc_end2:
_tile_overlayer_lowered:
.L_overlay_start_2:
0x29: {  	(tag) =	ssettag $0x2  }
0x2a: {  	s0 =	rddreg [dreg:$0x0];
	s2 =	stileid.u32  }
0x2b: {  	s1 =	rddreg [dreg:$0x1];
	p0 =	sne.s32 s2, $0x0  }
0x2c: {  	s3 =	rddreg [dreg:$0x2];
	[bflag:$0x3] =	sbarrier.arrive $0xFFFF;
	s2 =	simm.s32 @!p0 $0x1C02  }
0x2d: {  	[timem:s3], [sflag:s2] =	dma.local @!p0 [hbm:s0], s1  }
0x2e: {  	s0 =	simm.s32 @!p0 $0x2  }
0x2f: {  	_ =	swait.ge @!p0 [sflag:s0], s1  }
0x30: {  	s1 =	ssub.s32 @!p0 $0x0, s1;
	[sflag:s0] =	ssyncset.done @!p0 $0x0  }
0x31: {  	[sflag:s0] =	ssyncadd.s32 @!p0 s1  }
0x32: {  	[bflag:$0x3] =	sbarrier.arrive $0xFFFF  }
0x33: {  	_ =	shalt  }

// kernel: sparse-core-data-format-call.1.cloned.1.call-start
scs
called_computation.1_lowered:
.L_overlay_start_0:
0x0: {  	s1 =	sld [smem:$0x3FD9]  }
0x1: {  	s2 =	sld [smem:$0x3FFE];
	_ =	sdelay $0x1  }
0x2: {  	s3 =	srdreg.scid  }
0x3: {  	s0 =	sand.u32 $0x1, s3  }
0x4: {  	s17 =	sshll.u32 s0, $0xA;
	s1 =	sadd.s32 s2, s1  }
0x5: {  	s1 =	sadd.s32 s1, s17  }
0x6: {  	[smem:$0x3FB5] =	sst s1  }
0x7: {  	_ = 	snop  }
0x8: {  	(tm) =	ssettm $0x1  }
0x9: {  	s18 =	sld [smem:$0x3FFB];
	_ =	sdelay $0x3  }
0xa: {  	_ =	strace s18  }
0xb: {  	s1 =	sld [smem:$0x3FFC];
	_ =	sdelay $0x3  }
0xc: {  	_ =	strace s1  }
0xd: {  	s1 =	sld [smem:$0x3FFD];
	_ =	sdelay $0x3  }
0xe: {  	_ =	strace s1  }
0xf: {  	_ =	strace $0x8FFFFFFF  }
0x10: {  	s19 =	sld [smem:$0x3FDB];
	_ =	sdelay $0x1  }
0x11: {  	s20 =	simm.s32 $_scs_section_size  }
0x12: {  	s4 =	simm.s32 $_size__tile_overlayer_lowered;
	s5 =	simm.s32 $_tile_overlayer_lowered  }
0x13: {  	s23 =	simm.s32 $0x1BFF;
	s22 =	sshll.u32 s5, $0x1;
	s1 =	sadd.s32 s20, s19  }
0x14: {  	s6 =	simm.s32 $0x0;
	s21 =	sshll.u32 s4, $0x1;
	s4 =	sadd.s32 s22, s1  }
0x15: {  	[timem:s6], [sflag:s23] =	dma.local [hbm:s4], s21  }
0x16: {  	_ =	swait.ge [sflag:s23], s21  }
0x17: {  	s2 =	ssub.s32 $0x0, s21;
	[sflag:s23] =	ssyncset.done $0x0  }
0x18: {  	[sflag:s23] =	ssyncadd.s32 s2;
	_ =	sdelay $0x1  }
0x19: {  	s24 =	simm.s32 $0x1B8B  }
0x1a: {  	_ =	swait.ge [sflag:s24], $0x1  }
0x1b: {  	[sflag:s24] =	ssyncset.done $0x0  }
0x1c: {  	s26 =	simm.s32 $0x1B8E;
	s25 =	sld [smem:$0x3FFE];
	[sflag:s24] =	ssyncadd.s32 $0xFFFFFFFF  }
0x1d: {  	s27 =	simm.s32 $execute0_lowered;
	[smem:$0x3FD2] =	sst s26  }
0x1e: {  	s4 =	sshll.u32 s27, $0x1;
	_ =	strace $0x80000046;
	[dreg:$0x1] =	wrdreg $0xFFFFFFFF  }
0x1f: {  	s28 =	simm.s32 $_size_execute0_lowered;
	s1 =	sadd.s32 s1, s4;
	[dreg:$0x0] =	wrdreg $0x0  }
0x20: {  	s4 =	sshll.u32 s28, $0x1;
	[dreg:$0x2] =	wrdreg s1  }
0x21: {  	[dreg:$0x3] =	wrdreg s4  }
0x22: {  	[dreg:$0x4] =	wrdreg $0xC0  }
0x23: {  	_ =	task [dreg:s6], $0x5FFFF  }
0x24: {  	[dreg:$0x1] =	wrdreg $0xFFFFFFFF  }
0x25: {  	[dreg:$0x0] =	wrdreg $0x60  }
0x26: {  	[dreg:$0x2] =	wrdreg s25  }
0x27: {  	[dreg:$0x3] =	wrdreg $0x9  }
0x28: {  	_ =	task.clear_ibuf [dreg:s6], $0x4FFFF;
	_ =	strace $0x90000046  }
0x29: {  	s29 =	simm.s32 $0x9;
	_ =	strace $0x80000048  }
0x2a: {  	_ =	swait.ge [sflag:s29], $0x1  }
0x2b: {  	[sflag:s29] =	ssyncadd.s32 $0xFFFFFFFF  }
0x2c: {  	_ =	strace $0x90000048  }
0x2d: {  	_ =	sfence  }
0x2e: {  	s30 =	sld [smem:$0x0];
	_ =	sdelay $0x2  }
0x2f: {  	s31 =	sshll.u32 s3, $0xD;
	s3 =	sshrl.u32 s3, $0x2  }
0x30: {  	s2 =	sand.u32 $0x4000, s31;
	s1 =	sadd.s32 s3, s30  }
0x31: {  	s0 =	sor.u32 s2, s0;
	s1 =	sshll.u32 s1, $0x11  }
0x32: {  	s0 =	sor.u32 s1, s0  }
0x33: {  	s0 =	sadd.s32 $0x8F2B, s0  }
0x34: {  	[sflag:s0] =	ssyncadd.remote.s32 $0x1  }
0x35: {  	_ =	sfence.sel $0xFFFF  }
0x36: {  	[dreg:$0x0] =	wrdreg $0xFFFFFFFF;
	(pc) =	sbr.abs _section_cstart, $3  }
0x37: {  	[dreg:$0x1] =	wrdreg $0xFFFFFFFF  }
0x38: {  	_ =	task.clear_ibuf [dreg:s6], $0x2FFFF;
	_ =	strace $0x9FFFFFFF  }
0x39: {  	(tm) =	ssettm $0x7FFFFFFF  }
tec
execute0_lowered:
.L_overlay_start_1:
0x0: {  	(tag) =	ssettag $0x1  }
0x1: {  	s0 =	stileid.u32;
	s1 =	srdreg.scid  }
0x2: {  	s4 =	rddreg [dreg:$0x0];
	s7 =	simm.s32 $0x1;
	s31 =	simm.s32 $0x2  }
0x3: {  	s16 =	simm.s32 $0x0;
	s2 =	sshll.u32 s0, $0x5;
	s1 =	sshll.u32 s1, $0x9  }
0x4: {  	s9 =	simm.s32 $0x2000;
	s14 =	simm.s32 $0x0;
	s1 =	sor.u32 s2, s1  }
0x5: {  	s15 =	simm.s32 $0x0;
	s10 =	simm.s32 $0x0;
	s2 =	sand.u32 $0x380, s1  }
0x6: {  	s13 =	simm.s32 $0x0;
	s3 =	sadd.s32 $0x90000, s4;
	s5 =	ssub.s32 $0x400, s2  }
0x7: {  	s4 =	sadd.s32 $0x490000, s4;
	s1 =	rddreg [dreg:$0x1];
	s6 =	sand.u32 $0x380, s5  }
.Ltmp0:
0x8: {  	_ =	strace $0x80000047;
	p0 =	sne.s32 s6, $0x0;
	(pc) =	sbr.rel .LBB1_1-.Ltmp0, $4  }
0x9: {  	s11 =	smov.u32 s2;
	s8 =	sshrl.u32 s5, $0xA;
	s7 =	simm.s32 @!p0 $0x0  }
0xa: {  	s5 =	sand.u32 $0x3, s0;
	s6 =	simm.s32 $0x1;
	s7 =	sadd.s32 s7, s8  }
0xb: {  	s12 =	smov.u32 s5;
	[sflag:s6] =	ssyncpa.u1 $0x0;
	s7 =	sshll.u32 s7, $0x6  }
0xc: {  	p0 =	por $0x0, $0x0;
	[sflag:s31] =	ssyncpa.u1 $0x0;
	s8 =	sor.u32 $0x1, s7  }
.LBB1_4:
0xd: {  	v5 =	vld [tilespmem:s20+$0xFFFFFFD0];
	[tilespmem:s19+$0x2040 ss:$0x81] =	vst.msk $0xffff, v1  }
0xe: {  	v58 =	vld [tilespmem:s20+$0xFFFFFFE0];
	[tilespmem:s19+$0x2850 ss:$0x81] =	vst.msk $0xffff, v2  }
0xf: {  	s21 =	sshra.s32 s21, $0x2;
	v59 =	vld [tilespmem:s20+$0xFFFFFFF0];
	[tilespmem:s19+$0x3060 ss:$0x81] =	vst.msk $0xffff, v3  }
0x10: {  	v60 =	vld [tilespmem:s20+$0x0];
	[tilespmem:s19+$0x0 ss:$0x81] =	vst.msk $0xffff, v0;
	s18 =	sadd.s32 s21, s18  }
0x11: {  	v61 =	vld [tilespmem:s20+$0x10];
	[tilespmem:s18+$0x3870 ss:$0x81] =	vst.msk $0xffff, v4  }
0x12: {  	v62 =	vld [tilespmem:s20+$0x20];
	s26 =	sshll.u32 s16, $0xA;
	s27 =	sshll.u32 s14, $0x3;
	[tilespmem:s18+$0x810 ss:$0x81] =	vst.msk $0xffff, v5  }
0x13: {  	v63 =	vld [tilespmem:s20+$0xFFFFFFC0];
	s29 =	sshll.u32 s16, $0x7;
	s30 =	sand.u32 $0x78, s14;
	s15 =	sshll.u32 s15, $0x14;
	[tilespmem:s18+$0x1020 ss:$0x81] =	vst.msk $0xffff, v58  }
0x14: {  	s19 =	sand.u32 $0x7FE000, s26;
	s28 =	sand.u32 $0x7FFC00, s27;
	s16 =	sand.u32 $0x380, s29;
	[tilespmem:s18+$0x1830 ss:$0x81] =	vst.msk $0xffff, v59  }
0x15: {  	s31 =	sand.u32 $0x7, s14;
	s19 =	sadd.s32 s28, s19;
	s16 =	sor.u32 s30, s16;
	[tilespmem:s18+$0x2040 ss:$0x81] =	vst.msk $0xffff, v60  }
0x16: {  	s15 =	sadd.s32 s4, s15;
	s19 =	sshrl.u32 s19, $0x3;
	s16 =	sshrl.u32 s16, $0x3;
	[tilespmem:s18+$0x2850 ss:$0x81] =	vst.msk $0xffff, v61  }
0x17: {  	s14 =	sshll.u32 s31, $0x12;
	s19 =	sand.u32 $0xFFF80, s19;
	s15 =	sadd.s32 s16, s15;
	[tilespmem:s18+$0x3060 ss:$0x81] =	vst.msk $0xffff, v62  }
0x18: {  	s14 =	sor.u32 $0x400, s14;
	[tilespmem:s18+$0x0 ss:$0x81] =	vst.msk $0xffff, v63;
	s15 =	sadd.s32 s19, s15  }
0x19: {  	[hbm4b:s15+s14] =	stream.strided.scatter [tilespmem:s17], [sflag:$0x2], $0x4000, s9, s14, $0x20;
	[tilespmem:$0x10100] =	vst v63  }
.LBB1_5:
0x1a: {  	s17 =	sadd.s32 $0x80, s10  }
0x1b: {  	s14 =	sadd.s32 $0x400, s11;
	s18 =	smov.u32 s11;
	p2 =	sgt.s32 s17, $0x1FFF  }
0x1c: {  	s18 =	smov.u32 @p2 s14  }
0x1d: {  	s20 =	smov.u32 s12;
	s14 =	sadd.s32 $0x4, s12;
	p3 =	sgt.s32 s18, $0x3FF  }
0x1e: {  	s20 =	smov.u32 @p3 s14  }
0x1f: {  	s17 =	simm.s32 @p2 $0x0;
	p2 =	sgt.s32 s20, $0x3  }
0x20: {  	p1 =	slt.u32 s13, $0x2;
	s20 =	smov.u32 @p2 s5;
	p2 =	sne.s32 s13, s8  }
.Ltmp1:
0x21: {  	s19 =	simm.s32 @!p1 $0x2;
	(pc) =	sbr.rel @!p2 .LBB1_6-.Ltmp1, $4  }
0x22: {  	s16 =	smov.u32 s10;
	s15 =	smov.u32 s12;
	_ =	swait.ge @!p1 [sflag:s19], $0x4000  }
0x23: {  	p0 =	por !p0, !p0;
	[sflag:s19] =	ssyncset.done @!p1 $0x0;
	s10 =	smov.u32 s17  }
0x24: {  	s18 =	smov.u32 @p3 s2;
	s14 =	smov.u32 s11;
	[sflag:s19] =	ssyncadd.s32 @!p1 $0xFFFFC000  }
0x25: {  	s11 =	smov.u32 s18;
	s13 =	sadd.s32 $0x1, s13;
	s12 =	smov.u32 s20  }
.LBB1_1:
0x26: {  	p1 =	sge.u32 s13, s7;
	s31 =	sadd.s32 $0xFFFFFFFF, s13  }
0x27: {  	s17 =	sxor.u32 @!p1 $0xFFFFFFFF, s13;
	s18 =	sand.u32 @!p1 $0x78, s10;
	s19 =	sshll.u32 @!p1 s11, $0xD  }
0x28: {  	s20 =	sshll.u32 @!p1 s11, $0x7;
	s21 =	sshll.u32 @!p1 s10, $0x3;
	s17 =	sshll.u32 @!p1 s17, $0xE  }
0x29: {  	s19 =	sand.u32 @!p1 $0x7F0000, s19;
	s20 =	sand.u32 @!p1 $0x380, s20;
	s17 =	sand.u32 @!p1 $0x4000, s17  }
0x2a: {  	s19 =	sadd.s32 @!p1 s19, s21;
	s21 =	sand.u32 @!p1 $0x1C00, s21;
	s18 =	sor.u32 @!p1 s20, s18  }
0x2b: {  	s20 =	sshll.u32 @!p1 s12, $0x14;
	s18 =	sor.u32 @!p1 s21, s18;
	s19 =	sshrl.u32 @!p1 s19, $0x3  }
0x2c: {  	s20 =	sadd.s32 @!p1 s3, s20;
	s21 =	sand.u32 @!p1 $0x7, s10;
	s19 =	sand.u32 @!p1 $0xFFC00, s19  }
0x2d: {  	s18 =	sshrl.u32 @!p1 s18, $0x3;
	s19 =	sadd.s32 @!p1 s19, s20;
	s20 =	sshll.u32 @!p1 s21, $0x12  }
0x2e: {  	s18 =	sadd.s32 @!p1 s18, s19;
	s19 =	sor.u32 @!p1 $0x400, s20;
	s20 =	simm.s32 @!p1 $0x10000  }
0x2f: {  	[tilespmem:s17], [sflag:$0x1] =	stream.strided.gather @!p1 [hbm4b:s18+s19], $0x4000, s20, s19, $0x38;
	[tilespmem:$0x10100] =	vst v63  }
0x30: {  	p1 =	sge.u32 s31, s7  }
.Ltmp2:
0x31: {  	_ = 	snop;
	(pc) =	sbr.rel @p1 .LBB1_5-.Ltmp2, $1  }
0x32: {  	_ =	sdelay $0x3  }
0x33: {  	s17 =	simm.s32 $0x1  }
0x34: {  	_ =	swait.ge [sflag:s6], $0x4000;
	s17 =	simm.s32 @!p0 $0x0  }
0x35: {  	[sflag:s6] =	ssyncset.done $0x0;
	s18 =	sshll.u32 s17, $0xE  }
0x36: {  	[sflag:s6] =	ssyncadd.s32 $0xFFFFC000;
	s20 =	sor.u32 $0x40, s18  }
0x37: {  	s17 =	smul.u32 $0x10200, s17;
	v0 =	vld [tilespmem:s20+$0x30]  }
0x38: {  	v3 =	vld [tilespmem:s20+$0xFFFFFFD0]  }
0x39: {  	s17 =	sshrl.u32 s17, $0x2;
	v4 =	vld [tilespmem:s20+$0xFFFFFFE0]  }
0x3a: {  	v5 =	vld [tilespmem:s20+$0xFFFFFFF0];
	s18 =	sor.u32 $0x8000, s17  }
0x3b: {  	s31 =	sand.u32 $0x1, s13;
	v1 =	vld [tilespmem:s20+$0x0];
	s19 =	sadd.s32 $0x0, s18  }
0x3c: {  	v2 =	vld [tilespmem:s20+$0x10];
	s17 =	smul.u32 $0x10200, s31;
	[tilespmem:s19+$0x3870 ss:$0x81] =	vst.msk $0xffff, v0  }
0x3d: {  	[tilespmem:s19+$0x810 ss:$0x81] =	vst.msk $0xffff, v3;
	v3 =	vld [tilespmem:s20+$0x20]  }
0x3e: {  	s17 =	sshrl.u32 s17, $0x2;
	v0 =	vld [tilespmem:s20+$0xFFFFFFC0];
	[tilespmem:s19+$0x1020 ss:$0x81] =	vst.msk $0xffff, v4;
	s20 =	sadd.s32 $0x80, s20  }
0x3f: {  	s21 =	simm.s32 $0x4;
	s22 =	simm.s32 $0x8;
	s17 =	sor.u32 $0x8000, s17;
	[tilespmem:s19+$0x1830 ss:$0x81] =	vst.msk $0xffff, v5;
	v4 =	vld [tilespmem:s20+$0x30]  }
.LBB1_3:
0x40: {  	p1 =	sne.s32 s22, $0x1FC;
	v5 =	vld [tilespmem:s20+$0xFFFFFFD0];
	[tilespmem:s19+$0x2040 ss:$0x81] =	vst.msk $0xffff, v1  }
0x41: {  	v6 =	vld [tilespmem:s20+$0xFFFFFFE0];
	[tilespmem:s19+$0x2850 ss:$0x81] =	vst.msk $0xffff, v2  }
0x42: {  	s23 =	sshra.s32 s21, $0x2;
	s21 =	smov.u32 s22;
	v7 =	vld [tilespmem:s20+$0xFFFFFFF0];
	[tilespmem:s19+$0x3060 ss:$0x81] =	vst.msk $0xffff, v3  }
.Ltmp3:
0x43: {  	v1 =	vld [tilespmem:s20+$0x0];
	[tilespmem:s19+$0x0 ss:$0x81] =	vst.msk $0xffff, v0;
	s19 =	sadd.s32 s23, s18;
	(pc) =	sbr.rel @p1 .LBB1_3-.Ltmp3, $4  }
0x44: {  	v2 =	vld [tilespmem:s20+$0x10];
	[tilespmem:s19+$0x3870 ss:$0x81] =	vst.msk $0xffff, v4  }
0x45: {  	[tilespmem:s19+$0x810 ss:$0x81] =	vst.msk $0xffff, v5;
	v3 =	vld [tilespmem:s20+$0x20]  }
0x46: {  	v0 =	vld [tilespmem:s20+$0xFFFFFFC0];
	[tilespmem:s19+$0x1020 ss:$0x81] =	vst.msk $0xffff, v6;
	s20 =	sadd.s32 $0x80, s20  }
0x47: {  	s22 =	sadd.s32 $0x4, s22;
	v4 =	vld [tilespmem:s20+$0x30];
	[tilespmem:s19+$0x1830 ss:$0x81] =	vst.msk $0xffff, v7  }
.Ltmp4:
0x48: {  	_ = 	snop;
	(pc) =	sbr.rel .LBB1_4-.Ltmp4, $1  }
0x49: {  	_ =	sdelay $0x3  }
.LBB1_6:
0x4a: {  	_ =	sfence.sel $0x180000  }
0x4b: {  	s2 =	simm.s32 $0x1;
	[bflag:$0x0] =	sbarrier.arrive $0xFFFF  }
0x4c: {  	s31 =	simm.s32 $0x2;
	[sflag:s2] =	ssyncpa.u1 $0x1  }
0x4d: {  	[sflag:s31] =	ssyncpa.u1 $0x1  }
0x4e: {  	p0 =	sne.s32 s0, $0x0;
	_ =	strace $0x90000047  }
0x4f: {  	s0 =	sadd.s32 @!p0 $0x100000, s1;
	[bflag:$0x2] =	sbarrier.arrive $0xFFFF  }
0x50: {  	[sflag:s0] =	ssyncadd.tile.s32 @!p0 $0x1;
	_ =	shalt  }
.Lfunc_end1:
_tile_overlayer_lowered:
.L_overlay_start_2:
0x51: {  	(tag) =	ssettag $0x2  }
0x52: {  	s0 =	rddreg [dreg:$0x0];
	s2 =	stileid.u32  }
0x53: {  	s1 =	rddreg [dreg:$0x1];
	p0 =	sne.s32 s2, $0x0  }
0x54: {  	s3 =	rddreg [dreg:$0x2];
	[bflag:$0x3] =	sbarrier.arrive $0xFFFF;
	s2 =	simm.s32 @!p0 $0x1C01  }
0x55: {  	[timem:s3], [sflag:s2] =	dma.local @!p0 [hbm:s0], s1  }
0x56: {  	s0 =	simm.s32 @!p0 $0x1  }
0x57: {  	_ =	swait.ge @!p0 [sflag:s0], s1  }
0x58: {  	s1 =	ssub.s32 @!p0 $0x0, s1;
	[sflag:s0] =	ssyncset.done @!p0 $0x0  }
0x59: {  	[sflag:s0] =	ssyncadd.s32 @!p0 s1  }
0x5a: {  	[bflag:$0x3] =	sbarrier.arrive $0xFFFF  }
0x5b: {  	_ =	shalt  }

// kernel: sparse-core-data-format-call.cloned.1.call-start
scs
called_computation_lowered:
.L_overlay_start_0:
0x0: {  	s1 =	sld [smem:$0x3FD9]  }
0x1: {  	s2 =	sld [smem:$0x3FFE];
	_ =	sdelay $0x1  }
0x2: {  	s3 =	srdreg.scid  }
0x3: {  	s0 =	sand.u32 $0x1, s3  }
0x4: {  	s17 =	sshll.u32 s0, $0xA;
	s1 =	sadd.s32 s2, s1  }
0x5: {  	s1 =	sadd.s32 s1, s17  }
0x6: {  	[smem:$0x3FB5] =	sst s1  }
0x7: {  	_ = 	snop  }
0x8: {  	(tm) =	ssettm $0x1  }
0x9: {  	s18 =	sld [smem:$0x3FFB];
	_ =	sdelay $0x3  }
0xa: {  	_ =	strace s18  }
0xb: {  	s1 =	sld [smem:$0x3FFC];
	_ =	sdelay $0x3  }
0xc: {  	_ =	strace s1  }
0xd: {  	s1 =	sld [smem:$0x3FFD];
	_ =	sdelay $0x3  }
0xe: {  	_ =	strace s1  }
0xf: {  	_ =	strace $0x8FFFFFFF  }
0x10: {  	s19 =	sld [smem:$0x3FDB];
	_ =	sdelay $0x1  }
0x11: {  	s20 =	simm.s32 $_scs_section_size  }
0x12: {  	s4 =	simm.s32 $_size__tile_overlayer_lowered;
	s5 =	simm.s32 $_tile_overlayer_lowered  }
0x13: {  	s23 =	simm.s32 $0x1BFF;
	s22 =	sshll.u32 s5, $0x1;
	s1 =	sadd.s32 s20, s19  }
0x14: {  	s6 =	simm.s32 $0x0;
	s21 =	sshll.u32 s4, $0x1;
	s4 =	sadd.s32 s22, s1  }
0x15: {  	[timem:s6], [sflag:s23] =	dma.local [hbm:s4], s21  }
0x16: {  	_ =	swait.ge [sflag:s23], s21  }
0x17: {  	s2 =	ssub.s32 $0x0, s21;
	[sflag:s23] =	ssyncset.done $0x0  }
0x18: {  	[sflag:s23] =	ssyncadd.s32 s2;
	_ =	sdelay $0x1  }
0x19: {  	s24 =	simm.s32 $0x1B8B  }
0x1a: {  	_ =	swait.ge [sflag:s24], $0x1  }
0x1b: {  	[sflag:s24] =	ssyncset.done $0x0  }
0x1c: {  	s26 =	simm.s32 $0x1B8E;
	s25 =	sld [smem:$0x3FFE];
	[sflag:s24] =	ssyncadd.s32 $0xFFFFFFFF  }
0x1d: {  	s27 =	simm.s32 $execute0_lowered;
	[smem:$0x3FD2] =	sst s26  }
0x1e: {  	s4 =	sshll.u32 s27, $0x1;
	_ =	strace $0x8000005B;
	[dreg:$0x1] =	wrdreg $0xFFFFFFFF  }
0x1f: {  	s28 =	simm.s32 $_size_execute0_lowered;
	s1 =	sadd.s32 s1, s4;
	[dreg:$0x0] =	wrdreg $0x0  }
0x20: {  	s4 =	sshll.u32 s28, $0x1;
	[dreg:$0x2] =	wrdreg s1  }
0x21: {  	[dreg:$0x3] =	wrdreg s4  }
0x22: {  	[dreg:$0x4] =	wrdreg $0xC0  }
0x23: {  	_ =	task [dreg:s6], $0x5FFFF  }
0x24: {  	[dreg:$0x1] =	wrdreg $0xFFFFFFFF  }
0x25: {  	[dreg:$0x0] =	wrdreg $0x60  }
0x26: {  	[dreg:$0x2] =	wrdreg s25  }
0x27: {  	[dreg:$0x3] =	wrdreg $0x9  }
0x28: {  	_ =	task.clear_ibuf [dreg:s6], $0x4FFFF;
	_ =	strace $0x9000005B  }
0x29: {  	s29 =	simm.s32 $0x9;
	_ =	strace $0x8000005D  }
0x2a: {  	_ =	swait.ge [sflag:s29], $0x1  }
0x2b: {  	[sflag:s29] =	ssyncadd.s32 $0xFFFFFFFF  }
0x2c: {  	_ =	strace $0x9000005D  }
0x2d: {  	_ =	sfence  }
0x2e: {  	s30 =	sld [smem:$0x0];
	_ =	sdelay $0x2  }
0x2f: {  	s31 =	sshll.u32 s3, $0xD;
	s3 =	sshrl.u32 s3, $0x2  }
0x30: {  	s2 =	sand.u32 $0x4000, s31;
	s1 =	sadd.s32 s3, s30  }
0x31: {  	s0 =	sor.u32 s2, s0;
	s1 =	sshll.u32 s1, $0x11  }
0x32: {  	s0 =	sor.u32 s1, s0  }
0x33: {  	s0 =	sadd.s32 $0x8F2B, s0  }
0x34: {  	[sflag:s0] =	ssyncadd.remote.s32 $0x1  }
0x35: {  	_ =	sfence.sel $0xFFFF  }
0x36: {  	[dreg:$0x0] =	wrdreg $0xFFFFFFFF;
	(pc) =	sbr.abs _section_cstart, $3  }
0x37: {  	[dreg:$0x1] =	wrdreg $0xFFFFFFFF  }
0x38: {  	_ =	task.clear_ibuf [dreg:s6], $0x2FFFF;
	_ =	strace $0x9FFFFFFF  }
0x39: {  	(tm) =	ssettm $0x7FFFFFFF  }
tec
execute0_lowered:
.L_overlay_start_1:
0x0: {  	(tag) =	ssettag $0x1  }
0x1: {  	s2 =	rddreg [dreg:$0x0]  }
0x2: {  	s0 =	rddreg [dreg:$0x1];
	s1 =	srdreg.scid  }
0x3: {  	_ =	strace $0x8000005C;
	s7 =	simm.s32 $0x2;
	s13 =	simm.s32 $0x0  }
0x4: {  	p0 =	por $0x0, $0x0;
	s14 =	simm.s32 $0x0;
	s16 =	simm.s32 $0x0  }
0x5: {  	s15 =	simm.s32 $0x0;
	s9 =	simm.s32 $0x0;
	s10 =	simm.s32 $0x0  }
.Ltmp0:
0x6: {  	s8 =	simm.s32 $0x0;
	s4 =	sshll.u32 s1, $0x4;
	(pc) =	sbr.rel .LBB1_1-.Ltmp0, $4  }
0x7: {  	s1 =	stileid.u32;
	s5 =	sand.u32 $0x10, s4;
	s4 =	simm.s32 $0x1  }
0x8: {  	s3 =	sadd.s32 $0xD00000, s2;
	s6 =	sor.u32 s1, s5;
	[sflag:s4] =	ssyncpa.u1 $0x0  }
0x9: {  	s5 =	sand.u32 $0x3, s1;
	s6 =	sshrl.u32 s6, $0x2;
	[sflag:s7] =	ssyncpa.u1 $0x0  }
0xa: {  	s7 =	simm.s32 $0x4000;
	s12 =	smov.u32 s5;
	s11 =	smov.u32 s6  }
.LBB1_5:
0xb: {  	s17 =	sadd.s32 $0x80, s9  }
0xc: {  	s13 =	sadd.s32 $0x80, s10;
	s18 =	smov.u32 s10;
	p2 =	sgt.s32 s17, $0xFF  }
0xd: {  	s18 =	smov.u32 @p2 s13  }
0xe: {  	s19 =	smov.u32 s11;
	s13 =	sadd.s32 $0x8, s11;
	p3 =	sgt.s32 s18, $0x3FF  }
0xf: {  	s19 =	smov.u32 @p3 s13  }
0x10: {  	s20 =	smov.u32 s12;
	s13 =	sadd.s32 $0x4, s12;
	p4 =	sgt.s32 s19, $0x3F  }
0x11: {  	p1 =	slt.u32 s8, $0x2;
	s20 =	smov.u32 @p4 s13  }
0x12: {  	s8 =	sadd.s32 $0x1, s8;
	s17 =	simm.s32 @p2 $0x0;
	p2 =	sgt.s32 s20, $0x3  }
0x13: {  	s21 =	simm.s32 @!p1 $0x2;
	s20 =	smov.u32 @p2 s5;
	p2 =	sne.s32 s8, $0x82  }
.Ltmp1:
0x14: {  	s14 =	smov.u32 s10;
	_ =	swait.ge @!p1 [sflag:s21], $0x4000;
	(pc) =	sbr.rel @!p2 .LBB1_6-.Ltmp1, $4  }
0x15: {  	s16 =	smov.u32 s11;
	s15 =	smov.u32 s12;
	[sflag:s21] =	ssyncset.done @!p1 $0x0  }
0x16: {  	p0 =	por !p0, !p0;
	s18 =	simm.s32 @p3 $0x0;
	[sflag:s21] =	ssyncadd.s32 @!p1 $0xFFFFC000  }
0x17: {  	s10 =	smov.u32 s18;
	s19 =	smov.u32 @p4 s6;
	s13 =	smov.u32 s9  }
0x18: {  	s9 =	smov.u32 s17;
	s11 =	smov.u32 s19;
	s12 =	smov.u32 s20  }
.LBB1_1:
0x19: {  	p1 =	sgt.u32 s8, $0x7F  }
0x1a: {  	s17 =	sxor.u32 @!p1 $0xFFFFFFFF, s8;
	s18 =	sand.u32 @!p1 $0x78, s9;
	s19 =	sshll.u32 @!p1 s10, $0x8  }
0x1b: {  	s20 =	sshll.u32 @!p1 s9, $0x3;
	s21 =	sshll.u32 @!p1 s10, $0x7;
	s17 =	sshll.u32 @!p1 s17, $0xE  }
0x1c: {  	s19 =	sand.u32 @!p1 $0x3F800, s19;
	s20 =	sand.u32 @!p1 $0x3FC00, s20;
	s17 =	sand.u32 @!p1 $0x4000, s17  }
0x1d: {  	s19 =	sadd.s32 @!p1 s19, s20;
	s20 =	sand.u32 @!p1 $0x300, s21;
	s21 =	sand.u32 @!p1 $0x80, s21  }
0x1e: {  	s19 =	sor.u32 @!p1 s20, s19;
	s18 =	sor.u32 @!p1 s18, s21;
	s20 =	sshll.u32 @!p1 s12, $0x15  }
0x1f: {  	s21 =	sshll.u32 @!p1 s11, $0xF;
	s19 =	sshrl.u32 @!p1 s19, $0x3;
	s20 =	sadd.s32 @!p1 s3, s20  }
0x20: {  	s18 =	sshrl.u32 @!p1 s18, $0x3;
	s20 =	sadd.s32 @!p1 s21, s20;
	s21 =	sand.u32 @!p1 $0x7, s9  }
0x21: {  	s19 =	sand.u32 @!p1 $0x7FE0, s19;
	s18 =	sadd.s32 @!p1 s18, s20;
	s20 =	sshll.u32 @!p1 s21, $0x12  }
0x22: {  	s18 =	sadd.s32 @!p1 s19, s18;
	s19 =	sor.u32 @!p1 $0x400, s20;
	s20 =	simm.s32 @!p1 $0x800  }
0x23: {  	[tilespmem:s17], [sflag:$0x1] =	stream.strided.gather @!p1 [hbm4b:s18+s19], $0x4000, s20, s19, $0x38;
	[tilespmem:$0x10000] =	vst v63  }
0x24: {  	p1 =	seq.s32 s8, $0x0  }
0x25: {  	p2 =	seq.s32 @!p1 s8, $0x81  }
0x26: {  	p1 =	por p1, p2  }
.Ltmp2:
0x27: {  	_ = 	snop;
	(pc) =	sbr.rel @p1 .LBB1_5-.Ltmp2, $1  }
0x28: {  	_ =	sdelay $0x3  }
0x29: {  	s17 =	simm.s32 $0x1  }
0x2a: {  	s17 =	simm.s32 @!p0 $0x0  }
0x2b: {  	s17 =	sshll.u32 s17, $0xE  }
0x2c: {  	s18 =	sor.u32 $0x40, s17  }
0x2d: {  	v1 =	vmov s18;
	_ =	sdelay $0x1  }
0x2e: {  	_ =	swait.ge [sflag:s4], $0x4000  }
0x2f: {  	[sflag:s4] =	ssyncset.done $0x0  }
0x30: {  	s19 =	simm.s32 $0x0;
	[sflag:s4] =	ssyncadd.s32 $0xFFFFC000  }
0x31: {  	s17 =	sor.u32 $0x8070, s17;
	v7 =	vld.idx.msk [tilespmem:v1+s19+$0x30 ss:$0x1], $0xffff  }
0x32: {  	v0 =	vmov s17;
	v8 =	vld.idx.msk [tilespmem:v1+s19+$0xFFFFFFC0 ss:$0x1], $0xffff  }
0x33: {  	v6 =	vld.idx.msk [tilespmem:v1+s19+$0xFFFFFFD0 ss:$0x1], $0xffff  }
0x34: {  	v4 =	vld.idx.msk [tilespmem:v1+s19+$0xFFFFFFE0 ss:$0x1], $0xffff  }
0x35: {  	v2 =	vld.idx.msk [tilespmem:v1+s19+$0xFFFFFFF0 ss:$0x1], $0xffff  }
0x36: {  	s31 =	sshll.u32 s8, $0xE;
	v3 =	vld.idx.msk [tilespmem:v1+s19+$0x0 ss:$0x1], $0xffff  }
0x37: {  	s17 =	sand.u32 $0x4000, s31;
	v5 =	vld.idx.msk [tilespmem:v1+s19+$0x10 ss:$0x1], $0xffff;
	[tilespmem:v0+s19+$0x0 ss:$0x1] =	vst.idx.msk $0xffff, v7  }
0x38: {  	s20 =	simm.s32 $0x400;
	s18 =	simm.s32 $0x80;
	s17 =	sor.u32 $0x8000, s17;
	[tilespmem:v0+s19+$0xFFFFFF90 ss:$0x1] =	vst.idx.msk $0xffff, v8;
	v7 =	vld.idx.msk [tilespmem:v1+s19+$0x20 ss:$0x1], $0xffff  }
.LBB1_3:
0x39: {  	p1 =	sne.s32 s20, $0xFE00;
	v8 =	vld.idx.msk [tilespmem:v1+s18+$0x30 ss:$0x1], $0xffff;
	[tilespmem:v0+s19+$0xFFFFFFA0 ss:$0x1] =	vst.idx.msk $0xffff, v6  }
0x3a: {  	v9 =	vld.idx.msk [tilespmem:v1+s18+$0xFFFFFFC0 ss:$0x1], $0xffff;
	[tilespmem:v0+s19+$0xFFFFFFB0 ss:$0x1] =	vst.idx.msk $0xffff, v4  }
0x3b: {  	v6 =	vld.idx.msk [tilespmem:v1+s18+$0xFFFFFFD0 ss:$0x1], $0xffff;
	[tilespmem:v0+s19+$0xFFFFFFC0 ss:$0x1] =	vst.idx.msk $0xffff, v2  }
.Ltmp3:
0x3c: {  	v4 =	vld.idx.msk [tilespmem:v1+s18+$0xFFFFFFE0 ss:$0x1], $0xffff;
	[tilespmem:v0+s19+$0xFFFFFFD0 ss:$0x1] =	vst.idx.msk $0xffff, v3;
	(pc) =	sbr.rel @p1 .LBB1_3-.Ltmp3, $4  }
0x3d: {  	v2 =	vld.idx.msk [tilespmem:v1+s18+$0xFFFFFFF0 ss:$0x1], $0xffff;
	[tilespmem:v0+s19+$0xFFFFFFE0 ss:$0x1] =	vst.idx.msk $0xffff, v5  }
0x3e: {  	v3 =	vld.idx.msk [tilespmem:v1+s18+$0x0 ss:$0x1], $0xffff;
	[tilespmem:v0+s19+$0xFFFFFFF0 ss:$0x1] =	vst.idx.msk $0xffff, v7;
	s19 =	smov.u32 s18  }
0x3f: {  	v5 =	vld.idx.msk [tilespmem:v1+s19+$0x10 ss:$0x1], $0xffff;
	[tilespmem:v0+s19+$0x0 ss:$0x1] =	vst.idx.msk $0xffff, v8  }
0x40: {  	s18 =	sshra.s32 s20, $0x2;
	s20 =	sadd.s32 $0x200, s20;
	[tilespmem:v0+s19+$0xFFFFFF90 ss:$0x1] =	vst.idx.msk $0xffff, v9;
	v7 =	vld.idx.msk [tilespmem:v1+s19+$0x20 ss:$0x1], $0xffff  }
0x41: {  	_ =	sdelay $0x3  }
0x42: {  	[tilespmem:v0+s19+$0xFFFFFFA0 ss:$0x1] =	vst.idx.msk $0xffff, v6  }
0x43: {  	v56 =	vld.idx.msk [tilespmem:v1+s18+$0x30 ss:$0x1], $0xffff;
	[tilespmem:v0+s19+$0xFFFFFFB0 ss:$0x1] =	vst.idx.msk $0xffff, v4  }
0x44: {  	v57 =	vld.idx.msk [tilespmem:v1+s18+$0xFFFFFFC0 ss:$0x1], $0xffff;
	[tilespmem:v0+s19+$0xFFFFFFC0 ss:$0x1] =	vst.idx.msk $0xffff, v2  }
0x45: {  	v58 =	vld.idx.msk [tilespmem:v1+s18+$0xFFFFFFD0 ss:$0x1], $0xffff;
	[tilespmem:v0+s19+$0xFFFFFFD0 ss:$0x1] =	vst.idx.msk $0xffff, v3  }
0x46: {  	v59 =	vld.idx.msk [tilespmem:v1+s18+$0xFFFFFFE0 ss:$0x1], $0xffff;
	[tilespmem:v0+s19+$0xFFFFFFE0 ss:$0x1] =	vst.idx.msk $0xffff, v5  }
0x47: {  	v60 =	vld.idx.msk [tilespmem:v1+s18+$0xFFFFFFF0 ss:$0x1], $0xffff;
	s26 =	sand.u32 $0x78, s13;
	[tilespmem:v0+s19+$0xFFFFFFF0 ss:$0x1] =	vst.idx.msk $0xffff, v7  }
0x48: {  	v61 =	vld.idx.msk [tilespmem:v1+s18+$0x0 ss:$0x1], $0xffff;
	s20 =	sshll.u32 s16, $0x8;
	s21 =	sshll.u32 s13, $0x3;
	s27 =	sshll.u32 s16, $0x7;
	[tilespmem:v0+s18+$0x0 ss:$0x1] =	vst.idx.msk $0xffff, v56  }
0x49: {  	v62 =	vld.idx.msk [tilespmem:v1+s18+$0x10 ss:$0x1], $0xffff;
	s15 =	sshll.u32 s15, $0x15;
	s14 =	sshll.u32 s14, $0xB;
	s30 =	sand.u32 $0x7, s13;
	[tilespmem:v0+s18+$0xFFFFFF90 ss:$0x1] =	vst.idx.msk $0xffff, v57  }
0x4a: {  	v63 =	vld.idx.msk [tilespmem:v1+s18+$0x20 ss:$0x1], $0xffff;
	s20 =	sand.u32 $0x3800, s20;
	s21 =	sand.u32 $0x3C00, s21;
	s28 =	sand.u32 $0x300, s27;
	[tilespmem:v0+s18+$0xFFFFFFA0 ss:$0x1] =	vst.idx.msk $0xffff, v58  }
0x4b: {  	s16 =	sand.u32 $0x80, s27;
	s15 =	sadd.s32 s2, s15;
	s20 =	sadd.s32 s20, s21;
	[tilespmem:v0+s18+$0xFFFFFFB0 ss:$0x1] =	vst.idx.msk $0xffff, v59  }
.Ltmp4:
0x4c: {  	s16 =	sor.u32 s16, s26;
	s20 =	sor.u32 s28, s20;
	[tilespmem:v0+s18+$0xFFFFFFC0 ss:$0x1] =	vst.idx.msk $0xffff, v60;
	(pc) =	sbr.rel .LBB1_5-.Ltmp4, $4  }
0x4d: {  	s14 =	sadd.s32 s14, s15;
	s16 =	sshrl.u32 s16, $0x3;
	s29 =	sshrl.u32 s20, $0x3;
	[tilespmem:v0+s18+$0xFFFFFFD0 ss:$0x1] =	vst.idx.msk $0xffff, v61  }
0x4e: {  	s13 =	sshll.u32 s30, $0x12;
	s14 =	sadd.s32 s16, s14;
	[tilespmem:v0+s18+$0xFFFFFFE0 ss:$0x1] =	vst.idx.msk $0xffff, v62;
	s31 =	sand.u32 $0x7E0, s29  }
0x4f: {  	s13 =	sor.u32 $0x80, s13;
	[tilespmem:v0+s18+$0xFFFFFFF0 ss:$0x1] =	vst.idx.msk $0xffff, v63;
	s14 =	sadd.s32 s31, s14  }
0x50: {  	[hbm4b:s14+s13] =	stream.strided.scatter [tilespmem:s17], [sflag:$0x2], $0x4000, s7, s13, $0x38;
	[tilespmem:$0x10000] =	vst v63  }
.LBB1_6:
0x51: {  	_ =	sfence.sel $0x180000  }
0x52: {  	s2 =	simm.s32 $0x1;
	[bflag:$0x0] =	sbarrier.arrive $0xFFFF  }
0x53: {  	s31 =	simm.s32 $0x2;
	[sflag:s2] =	ssyncpa.u1 $0x1  }
0x54: {  	[sflag:s31] =	ssyncpa.u1 $0x1  }
0x55: {  	p0 =	sne.s32 s1, $0x0;
	_ =	strace $0x9000005C  }
0x56: {  	s0 =	sadd.s32 @!p0 $0x100000, s0;
	[bflag:$0x2] =	sbarrier.arrive $0xFFFF  }
0x57: {  	[sflag:s0] =	ssyncadd.tile.s32 @!p0 $0x1;
	_ =	shalt  }
.Lfunc_end1:
_tile_overlayer_lowered:
.L_overlay_start_2:
0x58: {  	(tag) =	ssettag $0x2  }
0x59: {  	s0 =	rddreg [dreg:$0x0];
	s2 =	stileid.u32  }
0x5a: {  	s1 =	rddreg [dreg:$0x1];
	p0 =	sne.s32 s2, $0x0  }
0x5b: {  	s3 =	rddreg [dreg:$0x2];
	[bflag:$0x3] =	sbarrier.arrive $0xFFFF;
	s2 =	simm.s32 @!p0 $0x1C01  }
0x5c: {  	[timem:s3], [sflag:s2] =	dma.local @!p0 [hbm:s0], s1  }
0x5d: {  	s0 =	simm.s32 @!p0 $0x1  }
0x5e: {  	_ =	swait.ge @!p0 [sflag:s0], s1  }
0x5f: {  	s1 =	ssub.s32 @!p0 $0x0, s1;
	[sflag:s0] =	ssyncset.done @!p0 $0x0  }
0x60: {  	[sflag:s0] =	ssyncadd.s32 @!p0 s1  }
0x61: {  	[bflag:$0x3] =	sbarrier.arrive $0xFFFF  }
0x62: {  	_ =	shalt  }

</sc_bundles>
